<compile_context>
chip_gen: v7x
topology: tpu7x:2x2x1
jax: 0.10.2.dev20260603
libtpu: 0.0.44.dev20260713+nightly
codegen_flags: <defaults>
</compile_context>

<pallas_src>
import functools

import numpy as np
import jax
import jax.numpy as jnp
from jax import lax
from jax.experimental import pallas as pl
from jax.experimental.pallas import tpu as pltpu
from jax.experimental.pallas import tpu_sc as plsc

H = 8
NEG_INF = float("-inf")



def _main_kernel(q_ref, qpos_ref, x_ref, xpos_ref, mask_ref,
                 ln_g_ref, ln_b_ref,
                 xs_out_ref, sim_ref, fidx_ref,
                 keyt_ref, rmax_ref, ridx_ref,
                 *, bn, nb, n_total, q_len, c):
    b = pl.program_id(0)
    n = pl.program_id(1)
    d = c // H

    @pl.when(n == 0)
    def _prologue():
        qv = q_ref[0]
        m = jnp.mean(qv, axis=-1, keepdims=True)
        v = jnp.mean((qv - m) ** 2, axis=-1, keepdims=True)
        qn = (qv - m) / jnp.sqrt(v + 1e-5) * ln_g_ref[0] + ln_b_ref[0]
        q2 = qn + qpos_ref[0]
        nrm = jnp.sqrt(jnp.sum(q2 * q2, axis=-1, keepdims=True))
        keyt_ref[...] = q2 / jnp.maximum(nrm, 1e-12)
        rmax_ref[...] = jnp.full((H, q_len), NEG_INF, jnp.float32)
        ridx_ref[...] = jnp.zeros((H, q_len), jnp.int32)

    x2 = x_ref[0] + xpos_ref[0]
    nrm = jnp.sqrt(jnp.sum(x2 * x2, axis=-1, keepdims=True))
    xs = x2 / jnp.maximum(nrm, 1e-12)
    xs_out_ref[0] = xs

    keyt = keyt_ref[...]
    for h in range(H):
        ks_h = keyt[:, h * d:(h + 1) * d]
        xs_h = xs[:, h * d:(h + 1) * d]
        s = lax.dot_general(
            xs_h, ks_h, (((1,), (1,)), ((), ())),
            preferred_element_type=jnp.float32)
        mh = mask_ref[h].T
        sm = jnp.where(mh, NEG_INF, s)
        sim_ref[0, h] = sm
        bmax = jnp.max(sm, axis=0)
        bidx = jnp.argmax(sm, axis=0).astype(jnp.int32) + n * bn
        better = bmax > rmax_ref[h, :]
        rmax_ref[h, :] = jnp.where(better, bmax, rmax_ref[h, :])
        ridx_ref[h, :] = jnp.where(better, bidx, ridx_ref[h, :])

    @pl.when(n == nb - 1)
    def _emit_indices():
        hcol = lax.broadcasted_iota(jnp.int32, (H, q_len), 0)
        fidx_ref[0] = ridx_ref[...] * H + (b * (n_total * H) + hcol)


def _stage1(q, query_pos, x, x_pos, attn_mask, ln_g, ln_b):
    B, Q, C = q.shape
    N = x.shape[1]
    BN = 512
    NB = N // BN
    kern = functools.partial(_main_kernel, bn=BN, nb=NB, n_total=N,
                             q_len=Q, c=C)
    return pl.pallas_call(
        kern,
        grid=(B, NB),
        in_specs=[
            pl.BlockSpec((1, Q, C), lambda b, n: (b, 0, 0)),
            pl.BlockSpec((1, Q, C), lambda b, n: (b, 0, 0)),
            pl.BlockSpec((1, BN, C), lambda b, n: (b, n, 0)),
            pl.BlockSpec((1, BN, C), lambda b, n: (b, n, 0)),
            pl.BlockSpec((H, Q, BN), lambda b, n: (b, 0, n)),
            pl.BlockSpec((1, C), lambda b, n: (0, 0)),
            pl.BlockSpec((1, C), lambda b, n: (0, 0)),
        ],
        out_specs=[
            pl.BlockSpec((1, BN, C), lambda b, n: (b, n, 0)),
            pl.BlockSpec((1, H, BN, Q), lambda b, n: (b, 0, n, 0)),
            pl.BlockSpec((1, H, Q), lambda b, n: (b, 0, 0)),
        ],
        out_shape=[
            jax.ShapeDtypeStruct((B, N, C), jnp.float32),
            jax.ShapeDtypeStruct((B, H, N, Q), jnp.float32),
            jax.ShapeDtypeStruct((B, H, Q), jnp.int32),
        ],
        scratch_shapes=[
            pltpu.VMEM((Q, C), jnp.float32),
            pltpu.VMEM((H, Q), jnp.float32),
            pltpu.VMEM((H, Q), jnp.int32),
        ],
        compiler_params=pltpu.CompilerParams(
            dimension_semantics=("arbitrary", "arbitrary")),
    )(q, query_pos, x, x_pos, attn_mask, ln_g, ln_b)



def _sc_gather(xs_flat, fidx, dperm, d):
    tot = fidx.shape[0]
    info = plsc.get_sparse_core_info()
    nw = info.num_cores * info.num_subcores
    per_w = tot // nw
    mesh = plsc.VectorSubcoreMesh(core_axis_name="c", subcore_axis_name="s")

    @functools.partial(
        pl.kernel, mesh=mesh,
        out_type=jax.ShapeDtypeStruct((tot, d), jnp.float32),
        scratch_types=[
            pltpu.VMEM((per_w,), jnp.int32),
            pltpu.VMEM((per_w,), jnp.int32),
            pltpu.VMEM((per_w, d), jnp.float32),
            pltpu.SemaphoreType.DMA,
        ],
        compiler_params=pltpu.CompilerParams(use_tc_tiling_on_sc=False),
    )
    def k(xs_hbm, idx_hbm, perm_hbm, out_hbm, idx_v, perm_v, rows_v, sem):
        wid = lax.axis_index("s") * info.num_cores + lax.axis_index("c")
        base = wid * per_w
        pltpu.sync_copy(idx_hbm.at[pl.ds(base, per_w)], idx_v)
        pltpu.sync_copy(perm_hbm.at[pl.ds(base, per_w)], perm_v)
        pltpu.async_copy(xs_hbm.at[idx_v], rows_v, sem).wait()
        pltpu.sync_copy(rows_v, out_hbm.at[perm_v])

    return k(xs_flat, fidx, dperm)



def _epi_kernel(q_ref, qpos_ref, g_ref, ln_g_ref, ln_b_ref,
                pW_ref, pb_ref, fW_ref, fb_ref, alpha_ref, out_ref):
    qv = q_ref[0]
    m = jnp.mean(qv, axis=-1, keepdims=True)
    v = jnp.mean((qv - m) ** 2, axis=-1, keepdims=True)
    qn = (qv - m) / jnp.sqrt(v + 1e-5) * ln_g_ref[0] + ln_b_ref[0]
    q2 = qn + qpos_ref[0]
    nrm = jnp.sqrt(jnp.sum(q2 * q2, axis=-1, keepdims=True))
    keyt = q2 / jnp.maximum(nrm, 1e-12)

    qg = g_ref[0]
    proj = lax.dot_general(
        qg * keyt, pW_ref[...], (((1,), (1,)), ((), ())),
        preferred_element_type=jnp.float32) + pb_ref[0]
    nrm2 = jnp.sqrt(jnp.sum(proj * proj, axis=0, keepdims=True))
    out1 = proj / jnp.maximum(nrm2, 1e-12) * alpha_ref[0] + qg
    out2 = lax.dot_general(
        out1, fW_ref[...], (((1,), (1,)), ((), ())),
        preferred_element_type=jnp.float32) + fb_ref[0]
    out_ref[0] = out2 + qn


def _stage3(q, query_pos, query_g, ln_g, ln_b, proj_W, proj_b,
            final_W, final_b, alpha):
    B, Q, C = q.shape
    return pl.pallas_call(
        _epi_kernel,
        grid=(B,),
        in_specs=[
            pl.BlockSpec((1, Q, C), lambda b: (b, 0, 0)),
            pl.BlockSpec((1, Q, C), lambda b: (b, 0, 0)),
            pl.BlockSpec((1, Q, C), lambda b: (b, 0, 0)),
            pl.BlockSpec((1, C), lambda b: (0, 0)),
            pl.BlockSpec((1, C), lambda b: (0, 0)),
            pl.BlockSpec((C, C), lambda b: (0, 0)),
            pl.BlockSpec((1, C), lambda b: (0, 0)),
            pl.BlockSpec((C, C), lambda b: (0, 0)),
            pl.BlockSpec((1, C), lambda b: (0, 0)),
            pl.BlockSpec((1, C), lambda b: (0, 0)),
        ],
        out_specs=pl.BlockSpec((1, Q, C), lambda b: (b, 0, 0)),
        out_shape=jax.ShapeDtypeStruct((B, Q, C), jnp.float32),
        compiler_params=pltpu.CompilerParams(
            dimension_semantics=("arbitrary",)),
    )(q, query_pos, query_g, ln_g, ln_b, proj_W, proj_b,
      final_W, final_b, alpha)


@jax.jit
def _run(q, x, query_pos, x_pos, attn_mask, ln_g, ln_b, proj_W, proj_b,
         final_W, final_b, alpha):
    B, Q, C = q.shape
    N = x.shape[1]
    D = C // H

    xs, sim, fidx = _stage1(q, query_pos, x, x_pos, attn_mask, ln_g, ln_b)

    f = np.arange(B * H * Q)
    bb, hh, qq = f // (H * Q), (f // Q) % H, f % Q
    dperm = jnp.asarray(((bb * Q + qq) * H + hh).astype(np.int32))

    gathered = _sc_gather(xs.reshape(B * N * H, D),
                          fidx.reshape(B * H * Q), dperm, D)
    query_g = gathered.reshape(B, Q, C)

    out = _stage3(q, query_pos, query_g, ln_g, ln_b, proj_W, proj_b,
                  final_W, final_b, alpha)
    return out, sim


def kernel(q, x, query_pos, x_pos, attn_mask, need_weights, ln_g, ln_b,
           proj_W, proj_b, final_W, final_b, alpha):
    return _run(q, x, query_pos, x_pos, attn_mask,
                ln_g.reshape(1, -1), ln_b.reshape(1, -1),
                proj_W, proj_b.reshape(1, -1),
                final_W, final_b.reshape(1, -1),
                alpha.reshape(1, -1))

# --- scband reference (transcript-rebuilt; emitter-appended) ---
"""Pipeline reference for scband-dq-ca-21148418965827 (READ-ONLY COPY).

The authoritative reference and input builder live on the scoring server;
editing this copy changes nothing except your own understanding.
"""

import jax, jax.numpy as jnp
import numpy as np

H = 8

def _layer_norm(x, g, b, eps=1e-5):
    m = jnp.mean(x, axis=-1, keepdims=True)
    v = jnp.mean((x - m) ** 2, axis=-1, keepdims=True)
    return (x - m) / jnp.sqrt(v + eps) * g + b

def _l2norm(x, axis, eps=1e-12):
    n = jnp.sqrt(jnp.sum(x * x, axis=axis, keepdims=True))
    return x / jnp.maximum(n, eps)

def _most_similar_tokens(x, q, mask):
    B, N, C = x.shape
    Q = q.shape[1]
    D = C // H
    xh = x.reshape(B, N, H, D).transpose(0, 2, 1, 3)
    qh = q.reshape(B, Q, H, D).transpose(0, 2, 1, 3)
    sim = jnp.einsum('bhnc,bhqc->bhnq', xh, qh)
    m = mask.transpose(0, 2, 1).reshape(B, H, N, Q)
    sim = jnp.where(m, -jnp.inf, sim)
    idx = jnp.argmax(sim, axis=2)
    gathered = jnp.take_along_axis(xh, idx[:, :, :, None], axis=2)
    gathered = gathered.transpose(0, 2, 1, 3).reshape(B, Q, C)
    return gathered, sim

def setup_inputs(seed: int = 0):
    key = jax.random.key(seed)
    ks = jax.random.split(key, 8)
    B, Q, N, C = 8, 256, 2048, 256
    q = jax.random.normal(ks[0], (B, Q, C), dtype=jnp.float32)
    x = jax.random.normal(ks[1], (B, N, C), dtype=jnp.float32)
    query_pos = jax.random.normal(ks[2], (B, Q, C), dtype=jnp.float32)
    x_pos = jax.random.normal(ks[3], (B, N, C), dtype=jnp.float32)
    attn_mask = jax.random.randint(ks[4], (B * H, Q, N), 0, 2).astype(bool)
    ln_g = jnp.ones((C,), dtype=jnp.float32)
    ln_b = jnp.zeros((C,), dtype=jnp.float32)
    proj_W = jax.random.normal(ks[5], (C, C), dtype=jnp.float32) * 0.02
    proj_b = jnp.zeros((C,), dtype=jnp.float32)
    final_W = jax.random.normal(ks[6], (C, C), dtype=jnp.float32) * 0.02
    final_b = jnp.zeros((C,), dtype=jnp.float32)
    alpha = jnp.ones((1, 1, C), dtype=jnp.float32)
    return {"q": q, "x": x, "query_pos": query_pos, "x_pos": x_pos,
            "attn_mask": attn_mask, "need_weights": 0,
            "ln_g": ln_g, "ln_b": ln_b, "proj_W": proj_W, "proj_b": proj_b,
            "final_W": final_W, "final_b": final_b, "alpha": alpha}

def reference(q, x, query_pos, x_pos, attn_mask, need_weights, ln_g, ln_b, proj_W, proj_b, final_W, final_b, alpha):
    qn = _layer_norm(q, ln_g, ln_b)
    res = qn
    x2 = x + x_pos
    q2 = qn + query_pos
    query = _l2norm(x2, -1)
    keyt = _l2norm(q2, -1)
    query_g, sim = _most_similar_tokens(query, keyt, attn_mask)
    proj_out = jnp.dot(query_g * keyt, proj_W.T) + proj_b
    out = _l2norm(proj_out, 1) * alpha + query_g
    out = jnp.dot(out, final_W.T) + final_b
    return (out + res, sim)

if __name__ == "__main__":
    import jax
    _d = setup_inputs()
    print(jax.jit(kernel)(*tuple(_d.values())))

</pallas_src>

<mosaic_0001>
#map = affine_map<(d0, d1) -> (0, 0)>
#map1 = affine_map<(d0, d1) -> (0)>
module attributes {stable_mosaic.version = 14 : i64} {
  func.func @k(%arg0: i32, %arg1: i32, %arg2: memref<131072x32xf32, #tpu.memory_space<hbm>>, %arg3: memref<16384xi32, #tpu.memory_space<hbm>>, %arg4: memref<16384xi32, #tpu.memory_space<hbm>>, %arg5: memref<16384x32xf32, #tpu.memory_space<hbm>>, %arg6: memref<512xi32, #tpu.memory_space<vmem>>, %arg7: memref<512xi32, #tpu.memory_space<vmem>>, %arg8: memref<512x32xf32, #tpu.memory_space<vmem>>, %arg9: memref<!tpu.dma_semaphore, #tpu.memory_space<semaphore_mem>>) attributes {dimension_semantics = [#tpu.dimension_semantics<core_parallel>, #tpu.dimension_semantics<subcore_parallel>], iteration_bounds = array<i64: 2, 16>, scalar_prefetch = 0 : i64, scratch_operands = 4 : i64, tpu.core_type = #tpu.core_type<sc_vector_subcore>, window_params = [{transform_indices = #map}, {transform_indices = #map1}, {transform_indices = #map1}, {transform_indices = #map}]} {
    %mul3A = arith.constant 2 : i32
    %mul3A_0 = arith.muli %arg1, %mul3A : i32
    %add3A = arith.addi %mul3A_0, %arg0 : i32
    %mul3A_1 = arith.constant 512 : i32
    %mul3A_2 = arith.muli %add3A, %mul3A_1 : i32
    "tpu.region"() ({
      %run_scoped3A = tpu.sem_alloc : memref<!tpu.dma_semaphore, #tpu.memory_space<semaphore_mem>>
      %dma_start3A_7 = tpu.memref_slice %arg3[%mul3A_2] : memref<16384xi32, #tpu.memory_space<hbm>> -> memref<512xi32, #tpu.memory_space<hbm>>
      %dma_start3A_8 = tpu.memref_slice %arg3[%mul3A_2] : memref<16384xi32, #tpu.memory_space<hbm>> -> memref<512xi32, #tpu.memory_space<hbm>>
      tpu.enqueue_dma source(%dma_start3A_8 : memref<512xi32, #tpu.memory_space<hbm>>) target(%arg6 : memref<512xi32, #tpu.memory_space<vmem>>) target_semaphore(%run_scoped3A : memref<!tpu.dma_semaphore, #tpu.memory_space<semaphore_mem>>)
      %dma_wait3A_9 = tpu.memref_slice %arg3[%mul3A_2] : memref<16384xi32, #tpu.memory_space<hbm>> -> memref<512xi32, #tpu.memory_space<hbm>>
      %dma_wait3A_10 = tpu.memref_slice %arg3[%mul3A_2] : memref<16384xi32, #tpu.memory_space<hbm>> -> memref<512xi32, #tpu.memory_space<hbm>>
      tpu.wait_dma2 semaphore(%run_scoped3A : memref<!tpu.dma_semaphore, #tpu.memory_space<semaphore_mem>>) src(%dma_wait3A_10 : memref<512xi32, #tpu.memory_space<hbm>>) dst(%arg6 : memref<512xi32, #tpu.memory_space<vmem>>)
      tpu.yield
    }) : () -> ()
    "tpu.region"() ({
      %run_scoped3A = tpu.sem_alloc : memref<!tpu.dma_semaphore, #tpu.memory_space<semaphore_mem>>
      %dma_start3A_7 = tpu.memref_slice %arg4[%mul3A_2] : memref<16384xi32, #tpu.memory_space<hbm>> -> memref<512xi32, #tpu.memory_space<hbm>>
      %dma_start3A_8 = tpu.memref_slice %arg4[%mul3A_2] : memref<16384xi32, #tpu.memory_space<hbm>> -> memref<512xi32, #tpu.memory_space<hbm>>
      tpu.enqueue_dma source(%dma_start3A_8 : memref<512xi32, #tpu.memory_space<hbm>>) target(%arg7 : memref<512xi32, #tpu.memory_space<vmem>>) target_semaphore(%run_scoped3A : memref<!tpu.dma_semaphore, #tpu.memory_space<semaphore_mem>>)
      %dma_wait3A_9 = tpu.memref_slice %arg4[%mul3A_2] : memref<16384xi32, #tpu.memory_space<hbm>> -> memref<512xi32, #tpu.memory_space<hbm>>
      %dma_wait3A_10 = tpu.memref_slice %arg4[%mul3A_2] : memref<16384xi32, #tpu.memory_space<hbm>> -> memref<512xi32, #tpu.memory_space<hbm>>
      tpu.wait_dma2 semaphore(%run_scoped3A : memref<!tpu.dma_semaphore, #tpu.memory_space<semaphore_mem>>) src(%dma_wait3A_10 : memref<512xi32, #tpu.memory_space<hbm>>) dst(%arg7 : memref<512xi32, #tpu.memory_space<vmem>>)
      tpu.yield
    }) : () -> ()
    %dma_start3A = arith.constant 0 : i32
    %dma_start3A_3 = arith.constant 0 : i32
    %dma_start3A_4 = tpu.memref_slice %arg2[%dma_start3A, %dma_start3A_3] : memref<131072x32xf32, #tpu.memory_space<hbm>> -> memref<131072x32xf32, #tpu.memory_space<hbm>>
    tpu.enqueue_indirect_dma source(%dma_start3A_4 : memref<131072x32xf32, #tpu.memory_space<hbm>>) target(%arg8 : memref<512x32xf32, #tpu.memory_space<vmem>>) offsets(%arg6 : memref<512xi32, #tpu.memory_space<vmem>>) semaphore(%arg9 : memref<!tpu.dma_semaphore, #tpu.memory_space<semaphore_mem>>)
    %dma_wait3A = arith.constant 0 : i32
    %dma_wait3A_5 = arith.constant 0 : i32
    %dma_wait3A_6 = tpu.memref_slice %arg2[%dma_wait3A, %dma_wait3A_5] : memref<131072x32xf32, #tpu.memory_space<hbm>> -> memref<131072x32xf32, #tpu.memory_space<hbm>>
    tpu.wait_indirect_dma semaphore(%arg9 : memref<!tpu.dma_semaphore, #tpu.memory_space<semaphore_mem>>) src(%dma_wait3A_6 : memref<131072x32xf32, #tpu.memory_space<hbm>>) dst(%arg8 : memref<512x32xf32, #tpu.memory_space<vmem>>)
    "tpu.region"() ({
      %run_scoped3A = tpu.sem_alloc : memref<!tpu.dma_semaphore, #tpu.memory_space<semaphore_mem>>
      %dma_start3A_7 = arith.constant 0 : i32
      %dma_start3A_8 = arith.constant 0 : i32
      %dma_start3A_9 = tpu.memref_slice %arg5[%dma_start3A_7, %dma_start3A_8] : memref<16384x32xf32, #tpu.memory_space<hbm>> -> memref<16384x32xf32, #tpu.memory_space<hbm>>
      tpu.enqueue_indirect_dma source(%arg8 : memref<512x32xf32, #tpu.memory_space<vmem>>) target(%dma_start3A_9 : memref<16384x32xf32, #tpu.memory_space<hbm>>) offsets(%arg7 : memref<512xi32, #tpu.memory_space<vmem>>) semaphore(%run_scoped3A : memref<!tpu.dma_semaphore, #tpu.memory_space<semaphore_mem>>)
      %dma_wait3A_10 = arith.constant 0 : i32
      %dma_wait3A_11 = arith.constant 0 : i32
      %dma_wait3A_12 = tpu.memref_slice %arg5[%dma_wait3A_10, %dma_wait3A_11] : memref<16384x32xf32, #tpu.memory_space<hbm>> -> memref<16384x32xf32, #tpu.memory_space<hbm>>
      tpu.wait_indirect_dma semaphore(%run_scoped3A : memref<!tpu.dma_semaphore, #tpu.memory_space<semaphore_mem>>) src(%arg8 : memref<512x32xf32, #tpu.memory_space<vmem>>) dst(%dma_wait3A_12 : memref<16384x32xf32, #tpu.memory_space<hbm>>)
      tpu.yield
    }) : () -> ()
    return
  }
}

module attributes {stable_mosaic.version = 14 : i64} {
  func.func @_main_kernel(%arg0: i32, %arg1: i32, %arg2: memref<1x256x256xf32, #tpu.memory_space<vmem>>, %arg3: memref<1x256x256xf32, #tpu.memory_space<vmem>>, %arg4: memref<1x512x256xf32, #tpu.memory_space<vmem>>, %arg5: memref<1x512x256xf32, #tpu.memory_space<vmem>>, %arg6: memref<8x256x512xi32, #tpu.memory_space<vmem>>, %arg7: memref<1x256xf32, #tpu.memory_space<vmem>>, %arg8: memref<1x256xf32, #tpu.memory_space<vmem>>, %arg9: memref<1x512x256xf32, #tpu.memory_space<vmem>>, %arg10: memref<1x8x512x256xf32, #tpu.memory_space<vmem>>, %arg11: memref<1x8x256xi32, #tpu.memory_space<vmem>>, %arg12: memref<256x256xf32, #tpu.memory_space<vmem>>, %arg13: memref<8x256xf32, #tpu.memory_space<vmem>>, %arg14: memref<8x256xi32, #tpu.memory_space<vmem>>) attributes {dimension_semantics = [#tpu.dimension_semantics<arbitrary>, #tpu.dimension_semantics<arbitrary>], iteration_bounds = array<i64: 8, 4>, scalar_prefetch = 0 : i64, scratch_operands = 3 : i64, tpu.core_type = #tpu.core_type<tc>, window_params = [{transform_indices = @transform_0, window_bounds = array<i64: 1, 256, 256>}, {transform_indices = @transform_1, window_bounds = array<i64: 1, 256, 256>}, {transform_indices = @transform_2, window_bounds = array<i64: 1, 512, 256>}, {transform_indices = @transform_3, window_bounds = array<i64: 1, 512, 256>}, {transform_indices = @transform_4, window_bounds = array<i64: 8, 256, 512>}, {pipeline_mode = #tpu.pipeline_mode<synchronous>, transform_indices = @transform_5, window_bounds = array<i64: 1, 256>}, {pipeline_mode = #tpu.pipeline_mode<synchronous>, transform_indices = @transform_6, window_bounds = array<i64: 1, 256>}, {transform_indices = @transform_7, window_bounds = array<i64: 1, 512, 256>}, {transform_indices = @transform_8, window_bounds = array<i64: 1, 8, 512, 256>}, {transform_indices = @transform_9, window_bounds = array<i64: 1, 8, 256>}]} {
    %eq3A = arith.constant 0 : i32
    %eq3A_0 = arith.cmpi eq, %arg1, %eq3A : i32
    %convert_element_type3A = arith.extui %eq3A_0 : i1 to i32
    %cond3A = arith.constant 0 : i32
    %cond3A_1 = arith.cmpi ne, %convert_element_type3A, %cond3A : i32
    scf.if %cond3A_1 {
      %get3A_452 = arith.constant 0 : index
      %get3A_453 = arith.constant 0 : index
      %get3A_454 = arith.constant 0 : index
      %get3A_455 = vector.load %arg2[%get3A_452, %get3A_453, %get3A_454] : memref<1x256x256xf32, #tpu.memory_space<vmem>>, vector<1x256x256xf32>
      %get3A_456 = vector.shape_cast %get3A_455 : vector<1x256x256xf32> to vector<256x256xf32>
      %reduce_sum3A_457 = arith.constant dense<0.000000e+00> : vector<256xf32>
      %reduce_sum3A_458 = vector.multi_reduction <add>, %get3A_456, %reduce_sum3A_457 [1] : vector<256x256xf32> to vector<256xf32>
      %broadcast_in_dim3A_459 = vector.shape_cast %reduce_sum3A_458 : vector<256xf32> to vector<256x1xf32>
      %div3A_460 = arith.constant 2.560000e+02 : f32
      %div3A_461 = vector.broadcast %div3A_460 : f32 to vector<256x1xf32>
      %div3A_462 = arith.divf %broadcast_in_dim3A_459, %div3A_461 : vector<256x1xf32>
      %sub3A = vector.broadcast %div3A_462 : vector<256x1xf32> to vector<256x256xf32>
      %sub3A_463 = arith.subf %get3A_456, %sub3A : vector<256x256xf32>
      %integer_pow3A = arith.mulf %sub3A_463, %sub3A_463 : vector<256x256xf32>
      %reduce_sum3A_464 = arith.constant dense<0.000000e+00> : vector<256xf32>
      %reduce_sum3A_465 = vector.multi_reduction <add>, %integer_pow3A, %reduce_sum3A_464 [1] : vector<256x256xf32> to vector<256xf32>
      %broadcast_in_dim3A_466 = vector.shape_cast %reduce_sum3A_465 : vector<256xf32> to vector<256x1xf32>
      %div3A_467 = arith.constant 2.560000e+02 : f32
      %div3A_468 = vector.broadcast %div3A_467 : f32 to vector<256x1xf32>
      %div3A_469 = arith.divf %broadcast_in_dim3A_466, %div3A_468 : vector<256x1xf32>
      %sub3A_470 = vector.broadcast %div3A_462 : vector<256x1xf32> to vector<256x256xf32>
      %sub3A_471 = arith.subf %get3A_456, %sub3A_470 : vector<256x256xf32>
      %add3A_472 = arith.constant 9.99999974E-6 : f32
      %add3A_473 = vector.broadcast %add3A_472 : f32 to vector<256x1xf32>
      %add3A_474 = arith.addf %div3A_469, %add3A_473 : vector<256x1xf32>
      %sqrt3A_475 = math.sqrt %add3A_474 : vector<256x1xf32>
      %div3A_476 = vector.broadcast %sqrt3A_475 : vector<256x1xf32> to vector<256x256xf32>
      %div3A_477 = arith.divf %sub3A_471, %div3A_476 : vector<256x256xf32>
      %get3A_478 = arith.constant 0 : index
      %get3A_479 = arith.constant 0 : index
      %get3A_480 = vector.load %arg7[%get3A_478, %get3A_479] : memref<1x256xf32, #tpu.memory_space<vmem>>, vector<1x256xf32>
      %get3A_481 = vector.shape_cast %get3A_480 : vector<1x256xf32> to vector<256xf32>
      %broadcast_in_dim3A_482 = vector.shape_cast %get3A_481 : vector<256xf32> to vector<1x256xf32>
      %mul3A_483 = vector.broadcast %broadcast_in_dim3A_482 : vector<1x256xf32> to vector<256x256xf32>
      %mul3A_484 = arith.mulf %div3A_477, %mul3A_483 : vector<256x256xf32>
      %get3A_485 = arith.constant 0 : index
      %get3A_486 = arith.constant 0 : index
      %get3A_487 = vector.load %arg8[%get3A_485, %get3A_486] : memref<1x256xf32, #tpu.memory_space<vmem>>, vector<1x256xf32>
      %get3A_488 = vector.shape_cast %get3A_487 : vector<1x256xf32> to vector<256xf32>
      %broadcast_in_dim3A_489 = vector.shape_cast %get3A_488 : vector<256xf32> to vector<1x256xf32>
      %add3A_490 = vector.broadcast %broadcast_in_dim3A_489 : vector<1x256xf32> to vector<256x256xf32>
      %add3A_491 = arith.addf %mul3A_484, %add3A_490 : vector<256x256xf32>
      %get3A_492 = arith.constant 0 : index
      %get3A_493 = arith.constant 0 : index
      %get3A_494 = arith.constant 0 : index
      %get3A_495 = vector.load %arg3[%get3A_492, %get3A_493, %get3A_494] : memref<1x256x256xf32, #tpu.memory_space<vmem>>, vector<1x256x256xf32>
      %get3A_496 = vector.shape_cast %get3A_495 : vector<1x256x256xf32> to vector<256x256xf32>
      %add3A_497 = arith.addf %add3A_491, %get3A_496 : vector<256x256xf32>
      %mul3A_498 = arith.mulf %add3A_497, %add3A_497 : vector<256x256xf32>
      %reduce_sum3A_499 = arith.constant dense<0.000000e+00> : vector<256xf32>
      %reduce_sum3A_500 = vector.multi_reduction <add>, %mul3A_498, %reduce_sum3A_499 [1] : vector<256x256xf32> to vector<256xf32>
      %broadcast_in_dim3A_501 = vector.shape_cast %reduce_sum3A_500 : vector<256xf32> to vector<256x1xf32>
      %sqrt3A_502 = math.sqrt %broadcast_in_dim3A_501 : vector<256x1xf32>
      %max3A_503 = arith.constant 9.99999996E-13 : f32
      %max3A_504 = vector.broadcast %max3A_503 : f32 to vector<256x1xf32>
      %max3A_505 = arith.maximumf %sqrt3A_502, %max3A_504 : vector<256x1xf32>
      %div3A_506 = vector.broadcast %max3A_505 : vector<256x1xf32> to vector<256x256xf32>
      %div3A_507 = arith.divf %add3A_497, %div3A_506 : vector<256x256xf32>
      %swap3A_508 = arith.constant 0 : index
      %swap3A_509 = arith.constant 0 : index
      %swap3A_510 = vector.load %arg12[%swap3A_508, %swap3A_509] : memref<256x256xf32, #tpu.memory_space<vmem>>, vector<256x256xf32>
      tpu.vector_store %arg12[%swap3A_508, %swap3A_509], %div3A_507 {strides = array<i32>} : memref<256x256xf32, #tpu.memory_space<vmem>>, vector<256x256xf32>,
      %broadcast_in_dim3A_511 = arith.constant 0xFF800000 : f32
      %broadcast_in_dim3A_512 = vector.broadcast %broadcast_in_dim3A_511 : f32 to vector<8x256xf32>
      %swap3A_513 = arith.constant 0 : index
      %swap3A_514 = arith.constant 0 : index
      %swap3A_515 = vector.load %arg13[%swap3A_513, %swap3A_514] : memref<8x256xf32, #tpu.memory_space<vmem>>, vector<8x256xf32>
      tpu.vector_store %arg13[%swap3A_513, %swap3A_514], %broadcast_in_dim3A_512 {strides = array<i32>} : memref<8x256xf32, #tpu.memory_space<vmem>>, vector<8x256xf32>,
      %broadcast_in_dim3A_516 = arith.constant 0 : i32
      %broadcast_in_dim3A_517 = vector.broadcast %broadcast_in_dim3A_516 : i32 to vector<8x256xi32>
      %swap3A_518 = arith.constant 0 : index
      %swap3A_519 = arith.constant 0 : index
      %swap3A_520 = vector.load %arg14[%swap3A_518, %swap3A_519] : memref<8x256xi32, #tpu.memory_space<vmem>>, vector<8x256xi32>
      tpu.vector_store %arg14[%swap3A_518, %swap3A_519], %broadcast_in_dim3A_517 {strides = array<i32>} : memref<8x256xi32, #tpu.memory_space<vmem>>, vector<8x256xi32>,
    } else {
    }
    %get3A = arith.constant 0 : index
    %get3A_2 = arith.constant 0 : index
    %get3A_3 = arith.constant 0 : index
    %get3A_4 = vector.load %arg4[%get3A, %get3A_2, %get3A_3] : memref<1x512x256xf32, #tpu.memory_space<vmem>>, vector<1x512x256xf32>
    %get3A_5 = vector.shape_cast %get3A_4 : vector<1x512x256xf32> to vector<512x256xf32>
    %get3A_6 = arith.constant 0 : index
    %get3A_7 = arith.constant 0 : index
    %get3A_8 = arith.constant 0 : index
    %get3A_9 = vector.load %arg5[%get3A_6, %get3A_7, %get3A_8] : memref<1x512x256xf32, #tpu.memory_space<vmem>>, vector<1x512x256xf32>
    %get3A_10 = vector.shape_cast %get3A_9 : vector<1x512x256xf32> to vector<512x256xf32>
    %add3A = arith.addf %get3A_5, %get3A_10 : vector<512x256xf32>
    %mul3A = arith.mulf %add3A, %add3A : vector<512x256xf32>
    %reduce_sum3A = arith.constant dense<0.000000e+00> : vector<512xf32>
    %reduce_sum3A_11 = vector.multi_reduction <add>, %mul3A, %reduce_sum3A [1] : vector<512x256xf32> to vector<512xf32>
    %broadcast_in_dim3A = vector.shape_cast %reduce_sum3A_11 : vector<512xf32> to vector<512x1xf32>
    %sqrt3A = math.sqrt %broadcast_in_dim3A : vector<512x1xf32>
    %max3A = arith.constant 9.99999996E-13 : f32
    %max3A_12 = vector.broadcast %max3A : f32 to vector<512x1xf32>
    %max3A_13 = arith.maximumf %sqrt3A, %max3A_12 : vector<512x1xf32>
    %div3A = vector.broadcast %max3A_13 : vector<512x1xf32> to vector<512x256xf32>
    %div3A_14 = arith.divf %add3A, %div3A : vector<512x256xf32>
    %swap3A = arith.constant 0 : index
    %swap3A_15 = arith.constant 0 : index
    %swap3A_16 = arith.constant 0 : index
    %swap3A_17 = vector.load %arg9[%swap3A, %swap3A_15, %swap3A_16] : memref<1x512x256xf32, #tpu.memory_space<vmem>>, vector<1x512x256xf32>
    %swap3A_18 = vector.shape_cast %swap3A_17 : vector<1x512x256xf32> to vector<512x256xf32>
    %swap3A_19 = vector.shape_cast %div3A_14 : vector<512x256xf32> to vector<1x512x256xf32>
    tpu.vector_store %arg9[%swap3A, %swap3A_15, %swap3A_16], %swap3A_19 {strides = array<i32>} : memref<1x512x256xf32, #tpu.memory_space<vmem>>, vector<1x512x256xf32>,
    %get3A_20 = arith.constant 0 : index
    %get3A_21 = arith.constant 0 : index
    %get3A_22 = vector.load %arg12[%get3A_20, %get3A_21] : memref<256x256xf32, #tpu.memory_space<vmem>>, vector<256x256xf32>
    %slice3A = vector.extract_strided_slice %get3A_22 {offsets = [0, 0], sizes = [256, 32], strides = [1, 1]} : vector<256x256xf32> to vector<256x32xf32>
    %slice3A_23 = vector.extract_strided_slice %div3A_14 {offsets = [0, 0], sizes = [512, 32], strides = [1, 1]} : vector<512x256xf32> to vector<512x32xf32>
    %dot_general3A = arith.constant dense<0.000000e+00> : vector<512x256xf32>
    %dot_general3A_24 = tpu.matmul %slice3A_23, %slice3A, %dot_general3A {dimension_numbers = #tpu.dot_dimension_numbers<[1], [1], [0], [0], [0, 0, 1, 0], [], []>, transpose_lhs_hint = false} : vector<512x32xf32>, vector<256x32xf32>, vector<512x256xf32> -> vector<512x256xf32>
    %get3A_25 = arith.constant 0 : index
    %get3A_26 = arith.constant 0 : index
    %get3A_27 = arith.constant 0 : index
    %get3A_28 = vector.load %arg6[%get3A_25, %get3A_26, %get3A_27] : memref<8x256x512xi32, #tpu.memory_space<vmem>>, vector<1x256x512xi32>
    %get3A_29 = vector.shape_cast %get3A_28 : vector<1x256x512xi32> to vector<256x512xi32>
    %get3A_30 = arith.constant dense<0> : vector<256x512xi32>
    %get3A_31 = arith.cmpi ne, %get3A_29, %get3A_30 : vector<256x512xi32>
    %transpose3A = tpu.transpose %get3A_31, [1, 0] : vector<256x512xi1> -> vector<512x256xi1>
    %jit3A = arith.constant 0xFF800000 : f32
    %broadcast_in_dim3A_32 = vector.broadcast %jit3A : f32 to vector<512x256xf32>
    %select_n3A = arith.select %transpose3A, %broadcast_in_dim3A_32, %dot_general3A_24 : vector<512x256xi1>, vector<512x256xf32>
    %swap3A_33 = arith.constant 0 : index
    %swap3A_34 = arith.constant 0 : index
    %swap3A_35 = arith.constant 0 : index
    %swap3A_36 = arith.constant 0 : index
    %swap3A_37 = vector.load %arg10[%swap3A_33, %swap3A_34, %swap3A_35, %swap3A_36] : memref<1x8x512x256xf32, #tpu.memory_space<vmem>>, vector<1x1x512x256xf32>
    %swap3A_38 = vector.shape_cast %swap3A_37 : vector<1x1x512x256xf32> to vector<512x256xf32>
    %swap3A_39 = vector.shape_cast %select_n3A : vector<512x256xf32> to vector<1x1x512x256xf32>
    tpu.vector_store %arg10[%swap3A_33, %swap3A_34, %swap3A_35, %swap3A_36], %swap3A_39 {strides = array<i32>} : memref<1x8x512x256xf32, #tpu.memory_space<vmem>>, vector<1x1x512x256xf32>,
    %reduce_max3A = arith.constant dense<0xFF800000> : vector<256xf32>
    %reduce_max3A_40 = vector.multi_reduction <maximumf>, %select_n3A, %reduce_max3A [0] : vector<512x256xf32> to vector<256xf32>
    %argmax3A = tpu.reduce_index %select_n3A {axis = 0 : i32, kind = #tpu.reduction_kind<arg_max>} : vector<512x256xf32> -> vector<256xi32>
    %mul3A_41 = arith.constant 512 : i32
    %mul3A_42 = arith.muli %arg1, %mul3A_41 : i32
    %add3A_43 = vector.broadcast %mul3A_42 : i32 to vector<256xi32>
    %add3A_44 = arith.addi %argmax3A, %add3A_43 : vector<256xi32>
    %get3A_45 = arith.constant 0 : index
    %get3A_46 = arith.constant 0 : index
    %get3A_47 = vector.load %arg13[%get3A_45, %get3A_46] : memref<8x256xf32, #tpu.memory_space<vmem>>, vector<1x256xf32>
    %get3A_48 = vector.shape_cast %get3A_47 : vector<1x256xf32> to vector<256xf32>
    %gt3A = arith.cmpf ogt, %reduce_max3A_40, %get3A_48 : vector<256xf32>
    %get3A_49 = arith.constant 0 : index
    %get3A_50 = arith.constant 0 : index
    %get3A_51 = vector.load %arg13[%get3A_49, %get3A_50] : memref<8x256xf32, #tpu.memory_space<vmem>>, vector<1x256xf32>
    %get3A_52 = vector.shape_cast %get3A_51 : vector<1x256xf32> to vector<256xf32>
    %select_n3A_53 = arith.select %gt3A, %reduce_max3A_40, %get3A_52 : vector<256xi1>, vector<256xf32>
    %swap3A_54 = arith.constant 0 : index
    %swap3A_55 = arith.constant 0 : index
    %swap3A_56 = vector.load %arg13[%swap3A_54, %swap3A_55] : memref<8x256xf32, #tpu.memory_space<vmem>>, vector<1x256xf32>
    %swap3A_57 = vector.shape_cast %swap3A_56 : vector<1x256xf32> to vector<256xf32>
    %swap3A_58 = vector.shape_cast %select_n3A_53 : vector<256xf32> to vector<1x256xf32>
    tpu.vector_store %arg13[%swap3A_54, %swap3A_55], %swap3A_58 {strides = array<i32>} : memref<8x256xf32, #tpu.memory_space<vmem>>, vector<1x256xf32>,
    %get3A_59 = arith.constant 0 : index
    %get3A_60 = arith.constant 0 : index
    %get3A_61 = vector.load %arg14[%get3A_59, %get3A_60] : memref<8x256xi32, #tpu.memory_space<vmem>>, vector<1x256xi32>
    %get3A_62 = vector.shape_cast %get3A_61 : vector<1x256xi32> to vector<256xi32>
    %select_n3A_63 = arith.select %gt3A, %add3A_44, %get3A_62 : vector<256xi1>, vector<256xi32>
    %swap3A_64 = arith.constant 0 : index
    %swap3A_65 = arith.constant 0 : index
    %swap3A_66 = vector.load %arg14[%swap3A_64, %swap3A_65] : memref<8x256xi32, #tpu.memory_space<vmem>>, vector<1x256xi32>
    %swap3A_67 = vector.shape_cast %swap3A_66 : vector<1x256xi32> to vector<256xi32>
    %swap3A_68 = vector.shape_cast %select_n3A_63 : vector<256xi32> to vector<1x256xi32>
    tpu.vector_store %arg14[%swap3A_64, %swap3A_65], %swap3A_68 {strides = array<i32>} : memref<8x256xi32, #tpu.memory_space<vmem>>, vector<1x256xi32>,
    %slice3A_69 = vector.extract_strided_slice %get3A_22 {offsets = [0, 32], sizes = [256, 32], strides = [1, 1]} : vector<256x256xf32> to vector<256x32xf32>
    %slice3A_70 = vector.extract_strided_slice %div3A_14 {offsets = [0, 32], sizes = [512, 32], strides = [1, 1]} : vector<512x256xf32> to vector<512x32xf32>
    %dot_general3A_71 = arith.constant dense<0.000000e+00> : vector<512x256xf32>
    %dot_general3A_72 = tpu.matmul %slice3A_70, %slice3A_69, %dot_general3A_71 {dimension_numbers = #tpu.dot_dimension_numbers<[1], [1], [0], [0], [0, 0, 1, 0], [], []>, transpose_lhs_hint = false} : vector<512x32xf32>, vector<256x32xf32>, vector<512x256xf32> -> vector<512x256xf32>
    %get3A_73 = arith.constant 1 : index
    %get3A_74 = arith.constant 0 : index
    %get3A_75 = arith.constant 0 : index
    %get3A_76 = vector.load %arg6[%get3A_73, %get3A_74, %get3A_75] : memref<8x256x512xi32, #tpu.memory_space<vmem>>, vector<1x256x512xi32>
    %get3A_77 = vector.shape_cast %get3A_76 : vector<1x256x512xi32> to vector<256x512xi32>
    %get3A_78 = arith.constant dense<0> : vector<256x512xi32>
    %get3A_79 = arith.cmpi ne, %get3A_77, %get3A_78 : vector<256x512xi32>
    %transpose3A_80 = tpu.transpose %get3A_79, [1, 0] : vector<256x512xi1> -> vector<512x256xi1>
    %jit3A_81 = arith.constant 0xFF800000 : f32
    %broadcast_in_dim3A_82 = vector.broadcast %jit3A_81 : f32 to vector<512x256xf32>
    %select_n3A_83 = arith.select %transpose3A_80, %broadcast_in_dim3A_82, %dot_general3A_72 : vector<512x256xi1>, vector<512x256xf32>
    %swap3A_84 = arith.constant 0 : index
    %swap3A_85 = arith.constant 1 : index
    %swap3A_86 = arith.constant 0 : index
    %swap3A_87 = arith.constant 0 : index
    %swap3A_88 = vector.load %arg10[%swap3A_84, %swap3A_85, %swap3A_86, %swap3A_87] : memref<1x8x512x256xf32, #tpu.memory_space<vmem>>, vector<1x1x512x256xf32>
    %swap3A_89 = vector.shape_cast %swap3A_88 : vector<1x1x512x256xf32> to vector<512x256xf32>
    %swap3A_90 = vector.shape_cast %select_n3A_83 : vector<512x256xf32> to vector<1x1x512x256xf32>
    tpu.vector_store %arg10[%swap3A_84, %swap3A_85, %swap3A_86, %swap3A_87], %swap3A_90 {strides = array<i32>} : memref<1x8x512x256xf32, #tpu.memory_space<vmem>>, vector<1x1x512x256xf32>,
    %reduce_max3A_91 = arith.constant dense<0xFF800000> : vector<256xf32>
    %reduce_max3A_92 = vector.multi_reduction <maximumf>, %select_n3A_83, %reduce_max3A_91 [0] : vector<512x256xf32> to vector<256xf32>
    %argmax3A_93 = tpu.reduce_index %select_n3A_83 {axis = 0 : i32, kind = #tpu.reduction_kind<arg_max>} : vector<512x256xf32> -> vector<256xi32>
    %mul3A_94 = arith.constant 512 : i32
    %mul3A_95 = arith.muli %arg1, %mul3A_94 : i32
    %add3A_96 = vector.broadcast %mul3A_95 : i32 to vector<256xi32>
    %add3A_97 = arith.addi %argmax3A_93, %add3A_96 : vector<256xi32>
    %get3A_98 = arith.constant 1 : index
    %get3A_99 = arith.constant 0 : index
    %get3A_100 = vector.load %arg13[%get3A_98, %get3A_99] : memref<8x256xf32, #tpu.memory_space<vmem>>, vector<1x256xf32>
    %get3A_101 = vector.shape_cast %get3A_100 : vector<1x256xf32> to vector<256xf32>
    %gt3A_102 = arith.cmpf ogt, %reduce_max3A_92, %get3A_101 : vector<256xf32>
    %get3A_103 = arith.constant 1 : index
    %get3A_104 = arith.constant 0 : index
    %get3A_105 = vector.load %arg13[%get3A_103, %get3A_104] : memref<8x256xf32, #tpu.memory_space<vmem>>, vector<1x256xf32>
    %get3A_106 = vector.shape_cast %get3A_105 : vector<1x256xf32> to vector<256xf32>
    %select_n3A_107 = arith.select %gt3A_102, %reduce_max3A_92, %get3A_106 : vector<256xi1>, vector<256xf32>
    %swap3A_108 = arith.constant 1 : index
    %swap3A_109 = arith.constant 0 : index
    %swap3A_110 = vector.load %arg13[%swap3A_108, %swap3A_109] : memref<8x256xf32, #tpu.memory_space<vmem>>, vector<1x256xf32>
    %swap3A_111 = vector.shape_cast %swap3A_110 : vector<1x256xf32> to vector<256xf32>
    %swap3A_112 = vector.shape_cast %select_n3A_107 : vector<256xf32> to vector<1x256xf32>
    tpu.vector_store %arg13[%swap3A_108, %swap3A_109], %swap3A_112 {strides = array<i32>} : memref<8x256xf32, #tpu.memory_space<vmem>>, vector<1x256xf32>,
    %get3A_113 = arith.constant 1 : index
    %get3A_114 = arith.constant 0 : index
    %get3A_115 = vector.load %arg14[%get3A_113, %get3A_114] : memref<8x256xi32, #tpu.memory_space<vmem>>, vector<1x256xi32>
    %get3A_116 = vector.shape_cast %get3A_115 : vector<1x256xi32> to vector<256xi32>
    %select_n3A_117 = arith.select %gt3A_102, %add3A_97, %get3A_116 : vector<256xi1>, vector<256xi32>
    %swap3A_118 = arith.constant 1 : index
    %swap3A_119 = arith.constant 0 : index
    %swap3A_120 = vector.load %arg14[%swap3A_118, %swap3A_119] : memref<8x256xi32, #tpu.memory_space<vmem>>, vector<1x256xi32>
    %swap3A_121 = vector.shape_cast %swap3A_120 : vector<1x256xi32> to vector<256xi32>
    %swap3A_122 = vector.shape_cast %select_n3A_117 : vector<256xi32> to vector<1x256xi32>
    tpu.vector_store %arg14[%swap3A_118, %swap3A_119], %swap3A_122 {strides = array<i32>} : memref<8x256xi32, #tpu.memory_space<vmem>>, vector<1x256xi32>,
    %slice3A_123 = vector.extract_strided_slice %get3A_22 {offsets = [0, 64], sizes = [256, 32], strides = [1, 1]} : vector<256x256xf32> to vector<256x32xf32>
    %slice3A_124 = vector.extract_strided_slice %div3A_14 {offsets = [0, 64], sizes = [512, 32], strides = [1, 1]} : vector<512x256xf32> to vector<512x32xf32>
    %dot_general3A_125 = arith.constant dense<0.000000e+00> : vector<512x256xf32>
    %dot_general3A_126 = tpu.matmul %slice3A_124, %slice3A_123, %dot_general3A_125 {dimension_numbers = #tpu.dot_dimension_numbers<[1], [1], [0], [0], [0, 0, 1, 0], [], []>, transpose_lhs_hint = false} : vector<512x32xf32>, vector<256x32xf32>, vector<512x256xf32> -> vector<512x256xf32>
    %get3A_127 = arith.constant 2 : index
    %get3A_128 = arith.constant 0 : index
    %get3A_129 = arith.constant 0 : index
    %get3A_130 = vector.load %arg6[%get3A_127, %get3A_128, %get3A_129] : memref<8x256x512xi32, #tpu.memory_space<vmem>>, vector<1x256x512xi32>
    %get3A_131 = vector.shape_cast %get3A_130 : vector<1x256x512xi32> to vector<256x512xi32>
    %get3A_132 = arith.constant dense<0> : vector<256x512xi32>
    %get3A_133 = arith.cmpi ne, %get3A_131, %get3A_132 : vector<256x512xi32>
    %transpose3A_134 = tpu.transpose %get3A_133, [1, 0] : vector<256x512xi1> -> vector<512x256xi1>
    %jit3A_135 = arith.constant 0xFF800000 : f32
    %broadcast_in_dim3A_136 = vector.broadcast %jit3A_135 : f32 to vector<512x256xf32>
    %select_n3A_137 = arith.select %transpose3A_134, %broadcast_in_dim3A_136, %dot_general3A_126 : vector<512x256xi1>, vector<512x256xf32>
    %swap3A_138 = arith.constant 0 : index
    %swap3A_139 = arith.constant 2 : index
    %swap3A_140 = arith.constant 0 : index
    %swap3A_141 = arith.constant 0 : index
    %swap3A_142 = vector.load %arg10[%swap3A_138, %swap3A_139, %swap3A_140, %swap3A_141] : memref<1x8x512x256xf32, #tpu.memory_space<vmem>>, vector<1x1x512x256xf32>
    %swap3A_143 = vector.shape_cast %swap3A_142 : vector<1x1x512x256xf32> to vector<512x256xf32>
    %swap3A_144 = vector.shape_cast %select_n3A_137 : vector<512x256xf32> to vector<1x1x512x256xf32>
    tpu.vector_store %arg10[%swap3A_138, %swap3A_139, %swap3A_140, %swap3A_141], %swap3A_144 {strides = array<i32>} : memref<1x8x512x256xf32, #tpu.memory_space<vmem>>, vector<1x1x512x256xf32>,
    %reduce_max3A_145 = arith.constant dense<0xFF800000> : vector<256xf32>
    %reduce_max3A_146 = vector.multi_reduction <maximumf>, %select_n3A_137, %reduce_max3A_145 [0] : vector<512x256xf32> to vector<256xf32>
    %argmax3A_147 = tpu.reduce_index %select_n3A_137 {axis = 0 : i32, kind = #tpu.reduction_kind<arg_max>} : vector<512x256xf32> -> vector<256xi32>
    %mul3A_148 = arith.constant 512 : i32
    %mul3A_149 = arith.muli %arg1, %mul3A_148 : i32
    %add3A_150 = vector.broadcast %mul3A_149 : i32 to vector<256xi32>
    %add3A_151 = arith.addi %argmax3A_147, %add3A_150 : vector<256xi32>
    %get3A_152 = arith.constant 2 : index
    %get3A_153 = arith.constant 0 : index
    %get3A_154 = vector.load %arg13[%get3A_152, %get3A_153] : memref<8x256xf32, #tpu.memory_space<vmem>>, vector<1x256xf32>
    %get3A_155 = vector.shape_cast %get3A_154 : vector<1x256xf32> to vector<256xf32>
    %gt3A_156 = arith.cmpf ogt, %reduce_max3A_146, %get3A_155 : vector<256xf32>
    %get3A_157 = arith.constant 2 : index
    %get3A_158 = arith.constant 0 : index
    %get3A_159 = vector.load %arg13[%get3A_157, %get3A_158] : memref<8x256xf32, #tpu.memory_space<vmem>>, vector<1x256xf32>
    %get3A_160 = vector.shape_cast %get3A_159 : vector<1x256xf32> to vector<256xf32>
    %select_n3A_161 = arith.select %gt3A_156, %reduce_max3A_146, %get3A_160 : vector<256xi1>, vector<256xf32>
    %swap3A_162 = arith.constant 2 : index
    %swap3A_163 = arith.constant 0 : index
    %swap3A_164 = vector.load %arg13[%swap3A_162, %swap3A_163] : memref<8x256xf32, #tpu.memory_space<vmem>>, vector<1x256xf32>
    %swap3A_165 = vector.shape_cast %swap3A_164 : vector<1x256xf32> to vector<256xf32>
    %swap3A_166 = vector.shape_cast %select_n3A_161 : vector<256xf32> to vector<1x256xf32>
    tpu.vector_store %arg13[%swap3A_162, %swap3A_163], %swap3A_166 {strides = array<i32>} : memref<8x256xf32, #tpu.memory_space<vmem>>, vector<1x256xf32>,
    %get3A_167 = arith.constant 2 : index
    %get3A_168 = arith.constant 0 : index
    %get3A_169 = vector.load %arg14[%get3A_167, %get3A_168] : memref<8x256xi32, #tpu.memory_space<vmem>>, vector<1x256xi32>
    %get3A_170 = vector.shape_cast %get3A_169 : vector<1x256xi32> to vector<256xi32>
    %select_n3A_171 = arith.select %gt3A_156, %add3A_151, %get3A_170 : vector<256xi1>, vector<256xi32>
    %swap3A_172 = arith.constant 2 : index
    %swap3A_173 = arith.constant 0 : index
    %swap3A_174 = vector.load %arg14[%swap3A_172, %swap3A_173] : memref<8x256xi32, #tpu.memory_space<vmem>>, vector<1x256xi32>
    %swap3A_175 = vector.shape_cast %swap3A_174 : vector<1x256xi32> to vector<256xi32>
    %swap3A_176 = vector.shape_cast %select_n3A_171 : vector<256xi32> to vector<1x256xi32>
    tpu.vector_store %arg14[%swap3A_172, %swap3A_173], %swap3A_176 {strides = array<i32>} : memref<8x256xi32, #tpu.memory_space<vmem>>, vector<1x256xi32>,
    %slice3A_177 = vector.extract_strided_slice %get3A_22 {offsets = [0, 96], sizes = [256, 32], strides = [1, 1]} : vector<256x256xf32> to vector<256x32xf32>
    %slice3A_178 = vector.extract_strided_slice %div3A_14 {offsets = [0, 96], sizes = [512, 32], strides = [1, 1]} : vector<512x256xf32> to vector<512x32xf32>
    %dot_general3A_179 = arith.constant dense<0.000000e+00> : vector<512x256xf32>
    %dot_general3A_180 = tpu.matmul %slice3A_178, %slice3A_177, %dot_general3A_179 {dimension_numbers = #tpu.dot_dimension_numbers<[1], [1], [0], [0], [0, 0, 1, 0], [], []>, transpose_lhs_hint = false} : vector<512x32xf32>, vector<256x32xf32>, vector<512x256xf32> -> vector<512x256xf32>
    %get3A_181 = arith.constant 3 : index
    %get3A_182 = arith.constant 0 : index
    %get3A_183 = arith.constant 0 : index
    %get3A_184 = vector.load %arg6[%get3A_181, %get3A_182, %get3A_183] : memref<8x256x512xi32, #tpu.memory_space<vmem>>, vector<1x256x512xi32>
    %get3A_185 = vector.shape_cast %get3A_184 : vector<1x256x512xi32> to vector<256x512xi32>
    %get3A_186 = arith.constant dense<0> : vector<256x512xi32>
    %get3A_187 = arith.cmpi ne, %get3A_185, %get3A_186 : vector<256x512xi32>
    %transpose3A_188 = tpu.transpose %get3A_187, [1, 0] : vector<256x512xi1> -> vector<512x256xi1>
    %jit3A_189 = arith.constant 0xFF800000 : f32
    %broadcast_in_dim3A_190 = vector.broadcast %jit3A_189 : f32 to vector<512x256xf32>
    %select_n3A_191 = arith.select %transpose3A_188, %broadcast_in_dim3A_190, %dot_general3A_180 : vector<512x256xi1>, vector<512x256xf32>
    %swap3A_192 = arith.constant 0 : index
    %swap3A_193 = arith.constant 3 : index
    %swap3A_194 = arith.constant 0 : index
    %swap3A_195 = arith.constant 0 : index
    %swap3A_196 = vector.load %arg10[%swap3A_192, %swap3A_193, %swap3A_194, %swap3A_195] : memref<1x8x512x256xf32, #tpu.memory_space<vmem>>, vector<1x1x512x256xf32>
    %swap3A_197 = vector.shape_cast %swap3A_196 : vector<1x1x512x256xf32> to vector<512x256xf32>
    %swap3A_198 = vector.shape_cast %select_n3A_191 : vector<512x256xf32> to vector<1x1x512x256xf32>
    tpu.vector_store %arg10[%swap3A_192, %swap3A_193, %swap3A_194, %swap3A_195], %swap3A_198 {strides = array<i32>} : memref<1x8x512x256xf32, #tpu.memory_space<vmem>>, vector<1x1x512x256xf32>,
    %reduce_max3A_199 = arith.constant dense<0xFF800000> : vector<256xf32>
    %reduce_max3A_200 = vector.multi_reduction <maximumf>, %select_n3A_191, %reduce_max3A_199 [0] : vector<512x256xf32> to vector<256xf32>
    %argmax3A_201 = tpu.reduce_index %select_n3A_191 {axis = 0 : i32, kind = #tpu.reduction_kind<arg_max>} : vector<512x256xf32> -> vector<256xi32>
    %mul3A_202 = arith.constant 512 : i32
    %mul3A_203 = arith.muli %arg1, %mul3A_202 : i32
    %add3A_204 = vector.broadcast %mul3A_203 : i32 to vector<256xi32>
    %add3A_205 = arith.addi %argmax3A_201, %add3A_204 : vector<256xi32>
    %get3A_206 = arith.constant 3 : index
    %get3A_207 = arith.constant 0 : index
    %get3A_208 = vector.load %arg13[%get3A_206, %get3A_207] : memref<8x256xf32, #tpu.memory_space<vmem>>, vector<1x256xf32>
    %get3A_209 = vector.shape_cast %get3A_208 : vector<1x256xf32> to vector<256xf32>
    %gt3A_210 = arith.cmpf ogt, %reduce_max3A_200, %get3A_209 : vector<256xf32>
    %get3A_211 = arith.constant 3 : index
    %get3A_212 = arith.constant 0 : index
    %get3A_213 = vector.load %arg13[%get3A_211, %get3A_212] : memref<8x256xf32, #tpu.memory_space<vmem>>, vector<1x256xf32>
    %get3A_214 = vector.shape_cast %get3A_213 : vector<1x256xf32> to vector<256xf32>
    %select_n3A_215 = arith.select %gt3A_210, %reduce_max3A_200, %get3A_214 : vector<256xi1>, vector<256xf32>
    %swap3A_216 = arith.constant 3 : index
    %swap3A_217 = arith.constant 0 : index
    %swap3A_218 = vector.load %arg13[%swap3A_216, %swap3A_217] : memref<8x256xf32, #tpu.memory_space<vmem>>, vector<1x256xf32>
    %swap3A_219 = vector.shape_cast %swap3A_218 : vector<1x256xf32> to vector<256xf32>
    %swap3A_220 = vector.shape_cast %select_n3A_215 : vector<256xf32> to vector<1x256xf32>
    tpu.vector_store %arg13[%swap3A_216, %swap3A_217], %swap3A_220 {strides = array<i32>} : memref<8x256xf32, #tpu.memory_space<vmem>>, vector<1x256xf32>,
    %get3A_221 = arith.constant 3 : index
    %get3A_222 = arith.constant 0 : index
    %get3A_223 = vector.load %arg14[%get3A_221, %get3A_222] : memref<8x256xi32, #tpu.memory_space<vmem>>, vector<1x256xi32>
    %get3A_224 = vector.shape_cast %get3A_223 : vector<1x256xi32> to vector<256xi32>
    %select_n3A_225 = arith.select %gt3A_210, %add3A_205, %get3A_224 : vector<256xi1>, vector<256xi32>
    %swap3A_226 = arith.constant 3 : index
    %swap3A_227 = arith.constant 0 : index
    %swap3A_228 = vector.load %arg14[%swap3A_226, %swap3A_227] : memref<8x256xi32, #tpu.memory_space<vmem>>, vector<1x256xi32>
    %swap3A_229 = vector.shape_cast %swap3A_228 : vector<1x256xi32> to vector<256xi32>
    %swap3A_230 = vector.shape_cast %select_n3A_225 : vector<256xi32> to vector<1x256xi32>
    tpu.vector_store %arg14[%swap3A_226, %swap3A_227], %swap3A_230 {strides = array<i32>} : memref<8x256xi32, #tpu.memory_space<vmem>>, vector<1x256xi32>,
    %slice3A_231 = vector.extract_strided_slice %get3A_22 {offsets = [0, 128], sizes = [256, 32], strides = [1, 1]} : vector<256x256xf32> to vector<256x32xf32>
    %slice3A_232 = vector.extract_strided_slice %div3A_14 {offsets = [0, 128], sizes = [512, 32], strides = [1, 1]} : vector<512x256xf32> to vector<512x32xf32>
    %dot_general3A_233 = arith.constant dense<0.000000e+00> : vector<512x256xf32>
    %dot_general3A_234 = tpu.matmul %slice3A_232, %slice3A_231, %dot_general3A_233 {dimension_numbers = #tpu.dot_dimension_numbers<[1], [1], [0], [0], [0, 0, 1, 0], [], []>, transpose_lhs_hint = false} : vector<512x32xf32>, vector<256x32xf32>, vector<512x256xf32> -> vector<512x256xf32>
    %get3A_235 = arith.constant 4 : index
    %get3A_236 = arith.constant 0 : index
    %get3A_237 = arith.constant 0 : index
    %get3A_238 = vector.load %arg6[%get3A_235, %get3A_236, %get3A_237] : memref<8x256x512xi32, #tpu.memory_space<vmem>>, vector<1x256x512xi32>
    %get3A_239 = vector.shape_cast %get3A_238 : vector<1x256x512xi32> to vector<256x512xi32>
    %get3A_240 = arith.constant dense<0> : vector<256x512xi32>
    %get3A_241 = arith.cmpi ne, %get3A_239, %get3A_240 : vector<256x512xi32>
    %transpose3A_242 = tpu.transpose %get3A_241, [1, 0] : vector<256x512xi1> -> vector<512x256xi1>
    %jit3A_243 = arith.constant 0xFF800000 : f32
    %broadcast_in_dim3A_244 = vector.broadcast %jit3A_243 : f32 to vector<512x256xf32>
    %select_n3A_245 = arith.select %transpose3A_242, %broadcast_in_dim3A_244, %dot_general3A_234 : vector<512x256xi1>, vector<512x256xf32>
    %swap3A_246 = arith.constant 0 : index
    %swap3A_247 = arith.constant 4 : index
    %swap3A_248 = arith.constant 0 : index
    %swap3A_249 = arith.constant 0 : index
    %swap3A_250 = vector.load %arg10[%swap3A_246, %swap3A_247, %swap3A_248, %swap3A_249] : memref<1x8x512x256xf32, #tpu.memory_space<vmem>>, vector<1x1x512x256xf32>
    %swap3A_251 = vector.shape_cast %swap3A_250 : vector<1x1x512x256xf32> to vector<512x256xf32>
    %swap3A_252 = vector.shape_cast %select_n3A_245 : vector<512x256xf32> to vector<1x1x512x256xf32>
    tpu.vector_store %arg10[%swap3A_246, %swap3A_247, %swap3A_248, %swap3A_249], %swap3A_252 {strides = array<i32>} : memref<1x8x512x256xf32, #tpu.memory_space<vmem>>, vector<1x1x512x256xf32>,
    %reduce_max3A_253 = arith.constant dense<0xFF800000> : vector<256xf32>
    %reduce_max3A_254 = vector.multi_reduction <maximumf>, %select_n3A_245, %reduce_max3A_253 [0] : vector<512x256xf32> to vector<256xf32>
    %argmax3A_255 = tpu.reduce_index %select_n3A_245 {axis = 0 : i32, kind = #tpu.reduction_kind<arg_max>} : vector<512x256xf32> -> vector<256xi32>
    %mul3A_256 = arith.constant 512 : i32
    %mul3A_257 = arith.muli %arg1, %mul3A_256 : i32
    %add3A_258 = vector.broadcast %mul3A_257 : i32 to vector<256xi32>
    %add3A_259 = arith.addi %argmax3A_255, %add3A_258 : vector<256xi32>
    %get3A_260 = arith.constant 4 : index
    %get3A_261 = arith.constant 0 : index
    %get3A_262 = vector.load %arg13[%get3A_260, %get3A_261] : memref<8x256xf32, #tpu.memory_space<vmem>>, vector<1x256xf32>
    %get3A_263 = vector.shape_cast %get3A_262 : vector<1x256xf32> to vector<256xf32>
    %gt3A_264 = arith.cmpf ogt, %reduce_max3A_254, %get3A_263 : vector<256xf32>
    %get3A_265 = arith.constant 4 : index
    %get3A_266 = arith.constant 0 : index
    %get3A_267 = vector.load %arg13[%get3A_265, %get3A_266] : memref<8x256xf32, #tpu.memory_space<vmem>>, vector<1x256xf32>
    %get3A_268 = vector.shape_cast %get3A_267 : vector<1x256xf32> to vector<256xf32>
    %select_n3A_269 = arith.select %gt3A_264, %reduce_max3A_254, %get3A_268 : vector<256xi1>, vector<256xf32>
    %swap3A_270 = arith.constant 4 : index
    %swap3A_271 = arith.constant 0 : index
    %swap3A_272 = vector.load %arg13[%swap3A_270, %swap3A_271] : memref<8x256xf32, #tpu.memory_space<vmem>>, vector<1x256xf32>
    %swap3A_273 = vector.shape_cast %swap3A_272 : vector<1x256xf32> to vector<256xf32>
    %swap3A_274 = vector.shape_cast %select_n3A_269 : vector<256xf32> to vector<1x256xf32>
    tpu.vector_store %arg13[%swap3A_270, %swap3A_271], %swap3A_274 {strides = array<i32>} : memref<8x256xf32, #tpu.memory_space<vmem>>, vector<1x256xf32>,
    %get3A_275 = arith.constant 4 : index
    %get3A_276 = arith.constant 0 : index
    %get3A_277 = vector.load %arg14[%get3A_275, %get3A_276] : memref<8x256xi32, #tpu.memory_space<vmem>>, vector<1x256xi32>
    %get3A_278 = vector.shape_cast %get3A_277 : vector<1x256xi32> to vector<256xi32>
    %select_n3A_279 = arith.select %gt3A_264, %add3A_259, %get3A_278 : vector<256xi1>, vector<256xi32>
    %swap3A_280 = arith.constant 4 : index
    %swap3A_281 = arith.constant 0 : index
    %swap3A_282 = vector.load %arg14[%swap3A_280, %swap3A_281] : memref<8x256xi32, #tpu.memory_space<vmem>>, vector<1x256xi32>
    %swap3A_283 = vector.shape_cast %swap3A_282 : vector<1x256xi32> to vector<256xi32>
    %swap3A_284 = vector.shape_cast %select_n3A_279 : vector<256xi32> to vector<1x256xi32>
    tpu.vector_store %arg14[%swap3A_280, %swap3A_281], %swap3A_284 {strides = array<i32>} : memref<8x256xi32, #tpu.memory_space<vmem>>, vector<1x256xi32>,
    %slice3A_285 = vector.extract_strided_slice %get3A_22 {offsets = [0, 160], sizes = [256, 32], strides = [1, 1]} : vector<256x256xf32> to vector<256x32xf32>
    %slice3A_286 = vector.extract_strided_slice %div3A_14 {offsets = [0, 160], sizes = [512, 32], strides = [1, 1]} : vector<512x256xf32> to vector<512x32xf32>
    %dot_general3A_287 = arith.constant dense<0.000000e+00> : vector<512x256xf32>
    %dot_general3A_288 = tpu.matmul %slice3A_286, %slice3A_285, %dot_general3A_287 {dimension_numbers = #tpu.dot_dimension_numbers<[1], [1], [0], [0], [0, 0, 1, 0], [], []>, transpose_lhs_hint = false} : vector<512x32xf32>, vector<256x32xf32>, vector<512x256xf32> -> vector<512x256xf32>
    %get3A_289 = arith.constant 5 : index
    %get3A_290 = arith.constant 0 : index
    %get3A_291 = arith.constant 0 : index
    %get3A_292 = vector.load %arg6[%get3A_289, %get3A_290, %get3A_291] : memref<8x256x512xi32, #tpu.memory_space<vmem>>, vector<1x256x512xi32>
    %get3A_293 = vector.shape_cast %get3A_292 : vector<1x256x512xi32> to vector<256x512xi32>
    %get3A_294 = arith.constant dense<0> : vector<256x512xi32>
    %get3A_295 = arith.cmpi ne, %get3A_293, %get3A_294 : vector<256x512xi32>
    %transpose3A_296 = tpu.transpose %get3A_295, [1, 0] : vector<256x512xi1> -> vector<512x256xi1>
    %jit3A_297 = arith.constant 0xFF800000 : f32
    %broadcast_in_dim3A_298 = vector.broadcast %jit3A_297 : f32 to vector<512x256xf32>
    %select_n3A_299 = arith.select %transpose3A_296, %broadcast_in_dim3A_298, %dot_general3A_288 : vector<512x256xi1>, vector<512x256xf32>
    %swap3A_300 = arith.constant 0 : index
    %swap3A_301 = arith.constant 5 : index
    %swap3A_302 = arith.constant 0 : index
    %swap3A_303 = arith.constant 0 : index
    %swap3A_304 = vector.load %arg10[%swap3A_300, %swap3A_301, %swap3A_302, %swap3A_303] : memref<1x8x512x256xf32, #tpu.memory_space<vmem>>, vector<1x1x512x256xf32>
    %swap3A_305 = vector.shape_cast %swap3A_304 : vector<1x1x512x256xf32> to vector<512x256xf32>
    %swap3A_306 = vector.shape_cast %select_n3A_299 : vector<512x256xf32> to vector<1x1x512x256xf32>
    tpu.vector_store %arg10[%swap3A_300, %swap3A_301, %swap3A_302, %swap3A_303], %swap3A_306 {strides = array<i32>} : memref<1x8x512x256xf32, #tpu.memory_space<vmem>>, vector<1x1x512x256xf32>,
    %reduce_max3A_307 = arith.constant dense<0xFF800000> : vector<256xf32>
    %reduce_max3A_308 = vector.multi_reduction <maximumf>, %select_n3A_299, %reduce_max3A_307 [0] : vector<512x256xf32> to vector<256xf32>
    %argmax3A_309 = tpu.reduce_index %select_n3A_299 {axis = 0 : i32, kind = #tpu.reduction_kind<arg_max>} : vector<512x256xf32> -> vector<256xi32>
    %mul3A_310 = arith.constant 512 : i32
    %mul3A_311 = arith.muli %arg1, %mul3A_310 : i32
    %add3A_312 = vector.broadcast %mul3A_311 : i32 to vector<256xi32>
    %add3A_313 = arith.addi %argmax3A_309, %add3A_312 : vector<256xi32>
    %get3A_314 = arith.constant 5 : index
    %get3A_315 = arith.constant 0 : index
    %get3A_316 = vector.load %arg13[%get3A_314, %get3A_315] : memref<8x256xf32, #tpu.memory_space<vmem>>, vector<1x256xf32>
    %get3A_317 = vector.shape_cast %get3A_316 : vector<1x256xf32> to vector<256xf32>
    %gt3A_318 = arith.cmpf ogt, %reduce_max3A_308, %get3A_317 : vector<256xf32>
    %get3A_319 = arith.constant 5 : index
    %get3A_320 = arith.constant 0 : index
    %get3A_321 = vector.load %arg13[%get3A_319, %get3A_320] : memref<8x256xf32, #tpu.memory_space<vmem>>, vector<1x256xf32>
    %get3A_322 = vector.shape_cast %get3A_321 : vector<1x256xf32> to vector<256xf32>
    %select_n3A_323 = arith.select %gt3A_318, %reduce_max3A_308, %get3A_322 : vector<256xi1>, vector<256xf32>
    %swap3A_324 = arith.constant 5 : index
    %swap3A_325 = arith.constant 0 : index
    %swap3A_326 = vector.load %arg13[%swap3A_324, %swap3A_325] : memref<8x256xf32, #tpu.memory_space<vmem>>, vector<1x256xf32>
    %swap3A_327 = vector.shape_cast %swap3A_326 : vector<1x256xf32> to vector<256xf32>
    %swap3A_328 = vector.shape_cast %select_n3A_323 : vector<256xf32> to vector<1x256xf32>
    tpu.vector_store %arg13[%swap3A_324, %swap3A_325], %swap3A_328 {strides = array<i32>} : memref<8x256xf32, #tpu.memory_space<vmem>>, vector<1x256xf32>,
    %get3A_329 = arith.constant 5 : index
    %get3A_330 = arith.constant 0 : index
    %get3A_331 = vector.load %arg14[%get3A_329, %get3A_330] : memref<8x256xi32, #tpu.memory_space<vmem>>, vector<1x256xi32>
    %get3A_332 = vector.shape_cast %get3A_331 : vector<1x256xi32> to vector<256xi32>
    %select_n3A_333 = arith.select %gt3A_318, %add3A_313, %get3A_332 : vector<256xi1>, vector<256xi32>
    %swap3A_334 = arith.constant 5 : index
    %swap3A_335 = arith.constant 0 : index
    %swap3A_336 = vector.load %arg14[%swap3A_334, %swap3A_335] : memref<8x256xi32, #tpu.memory_space<vmem>>, vector<1x256xi32>
    %swap3A_337 = vector.shape_cast %swap3A_336 : vector<1x256xi32> to vector<256xi32>
    %swap3A_338 = vector.shape_cast %select_n3A_333 : vector<256xi32> to vector<1x256xi32>
    tpu.vector_store %arg14[%swap3A_334, %swap3A_335], %swap3A_338 {strides = array<i32>} : memref<8x256xi32, #tpu.memory_space<vmem>>, vector<1x256xi32>,
    %slice3A_339 = vector.extract_strided_slice %get3A_22 {offsets = [0, 192], sizes = [256, 32], strides = [1, 1]} : vector<256x256xf32> to vector<256x32xf32>
    %slice3A_340 = vector.extract_strided_slice %div3A_14 {offsets = [0, 192], sizes = [512, 32], strides = [1, 1]} : vector<512x256xf32> to vector<512x32xf32>
    %dot_general3A_341 = arith.constant dense<0.000000e+00> : vector<512x256xf32>
    %dot_general3A_342 = tpu.matmul %slice3A_340, %slice3A_339, %dot_general3A_341 {dimension_numbers = #tpu.dot_dimension_numbers<[1], [1], [0], [0], [0, 0, 1, 0], [], []>, transpose_lhs_hint = false} : vector<512x32xf32>, vector<256x32xf32>, vector<512x256xf32> -> vector<512x256xf32>
    %get3A_343 = arith.constant 6 : index
    %get3A_344 = arith.constant 0 : index
    %get3A_345 = arith.constant 0 : index
    %get3A_346 = vector.load %arg6[%get3A_343, %get3A_344, %get3A_345] : memref<8x256x512xi32, #tpu.memory_space<vmem>>, vector<1x256x512xi32>
    %get3A_347 = vector.shape_cast %get3A_346 : vector<1x256x512xi32> to vector<256x512xi32>
    %get3A_348 = arith.constant dense<0> : vector<256x512xi32>
    %get3A_349 = arith.cmpi ne, %get3A_347, %get3A_348 : vector<256x512xi32>
    %transpose3A_350 = tpu.transpose %get3A_349, [1, 0] : vector<256x512xi1> -> vector<512x256xi1>
    %jit3A_351 = arith.constant 0xFF800000 : f32
    %broadcast_in_dim3A_352 = vector.broadcast %jit3A_351 : f32 to vector<512x256xf32>
    %select_n3A_353 = arith.select %transpose3A_350, %broadcast_in_dim3A_352, %dot_general3A_342 : vector<512x256xi1>, vector<512x256xf32>
    %swap3A_354 = arith.constant 0 : index
    %swap3A_355 = arith.constant 6 : index
    %swap3A_356 = arith.constant 0 : index
    %swap3A_357 = arith.constant 0 : index
    %swap3A_358 = vector.load %arg10[%swap3A_354, %swap3A_355, %swap3A_356, %swap3A_357] : memref<1x8x512x256xf32, #tpu.memory_space<vmem>>, vector<1x1x512x256xf32>
    %swap3A_359 = vector.shape_cast %swap3A_358 : vector<1x1x512x256xf32> to vector<512x256xf32>
    %swap3A_360 = vector.shape_cast %select_n3A_353 : vector<512x256xf32> to vector<1x1x512x256xf32>
    tpu.vector_store %arg10[%swap3A_354, %swap3A_355, %swap3A_356, %swap3A_357], %swap3A_360 {strides = array<i32>} : memref<1x8x512x256xf32, #tpu.memory_space<vmem>>, vector<1x1x512x256xf32>,
    %reduce_max3A_361 = arith.constant dense<0xFF800000> : vector<256xf32>
    %reduce_max3A_362 = vector.multi_reduction <maximumf>, %select_n3A_353, %reduce_max3A_361 [0] : vector<512x256xf32> to vector<256xf32>
    %argmax3A_363 = tpu.reduce_index %select_n3A_353 {axis = 0 : i32, kind = #tpu.reduction_kind<arg_max>} : vector<512x256xf32> -> vector<256xi32>
    %mul3A_364 = arith.constant 512 : i32
    %mul3A_365 = arith.muli %arg1, %mul3A_364 : i32
    %add3A_366 = vector.broadcast %mul3A_365 : i32 to vector<256xi32>
    %add3A_367 = arith.addi %argmax3A_363, %add3A_366 : vector<256xi32>
    %get3A_368 = arith.constant 6 : index
    %get3A_369 = arith.constant 0 : index
    %get3A_370 = vector.load %arg13[%get3A_368, %get3A_369] : memref<8x256xf32, #tpu.memory_space<vmem>>, vector<1x256xf32>
    %get3A_371 = vector.shape_cast %get3A_370 : vector<1x256xf32> to vector<256xf32>
    %gt3A_372 = arith.cmpf ogt, %reduce_max3A_362, %get3A_371 : vector<256xf32>
    %get3A_373 = arith.constant 6 : index
    %get3A_374 = arith.constant 0 : index
    %get3A_375 = vector.load %arg13[%get3A_373, %get3A_374] : memref<8x256xf32, #tpu.memory_space<vmem>>, vector<1x256xf32>
    %get3A_376 = vector.shape_cast %get3A_375 : vector<1x256xf32> to vector<256xf32>
    %select_n3A_377 = arith.select %gt3A_372, %reduce_max3A_362, %get3A_376 : vector<256xi1>, vector<256xf32>
    %swap3A_378 = arith.constant 6 : index
    %swap3A_379 = arith.constant 0 : index
    %swap3A_380 = vector.load %arg13[%swap3A_378, %swap3A_379] : memref<8x256xf32, #tpu.memory_space<vmem>>, vector<1x256xf32>
    %swap3A_381 = vector.shape_cast %swap3A_380 : vector<1x256xf32> to vector<256xf32>
    %swap3A_382 = vector.shape_cast %select_n3A_377 : vector<256xf32> to vector<1x256xf32>
    tpu.vector_store %arg13[%swap3A_378, %swap3A_379], %swap3A_382 {strides = array<i32>} : memref<8x256xf32, #tpu.memory_space<vmem>>, vector<1x256xf32>,
    %get3A_383 = arith.constant 6 : index
    %get3A_384 = arith.constant 0 : index
    %get3A_385 = vector.load %arg14[%get3A_383, %get3A_384] : memref<8x256xi32, #tpu.memory_space<vmem>>, vector<1x256xi32>
    %get3A_386 = vector.shape_cast %get3A_385 : vector<1x256xi32> to vector<256xi32>
    %select_n3A_387 = arith.select %gt3A_372, %add3A_367, %get3A_386 : vector<256xi1>, vector<256xi32>
    %swap3A_388 = arith.constant 6 : index
    %swap3A_389 = arith.constant 0 : index
    %swap3A_390 = vector.load %arg14[%swap3A_388, %swap3A_389] : memref<8x256xi32, #tpu.memory_space<vmem>>, vector<1x256xi32>
    %swap3A_391 = vector.shape_cast %swap3A_390 : vector<1x256xi32> to vector<256xi32>
    %swap3A_392 = vector.shape_cast %select_n3A_387 : vector<256xi32> to vector<1x256xi32>
    tpu.vector_store %arg14[%swap3A_388, %swap3A_389], %swap3A_392 {strides = array<i32>} : memref<8x256xi32, #tpu.memory_space<vmem>>, vector<1x256xi32>,
    %slice3A_393 = vector.extract_strided_slice %get3A_22 {offsets = [0, 224], sizes = [256, 32], strides = [1, 1]} : vector<256x256xf32> to vector<256x32xf32>
    %slice3A_394 = vector.extract_strided_slice %div3A_14 {offsets = [0, 224], sizes = [512, 32], strides = [1, 1]} : vector<512x256xf32> to vector<512x32xf32>
    %dot_general3A_395 = arith.constant dense<0.000000e+00> : vector<512x256xf32>
    %dot_general3A_396 = tpu.matmul %slice3A_394, %slice3A_393, %dot_general3A_395 {dimension_numbers = #tpu.dot_dimension_numbers<[1], [1], [0], [0], [0, 0, 1, 0], [], []>, transpose_lhs_hint = false} : vector<512x32xf32>, vector<256x32xf32>, vector<512x256xf32> -> vector<512x256xf32>
    %get3A_397 = arith.constant 7 : index
    %get3A_398 = arith.constant 0 : index
    %get3A_399 = arith.constant 0 : index
    %get3A_400 = vector.load %arg6[%get3A_397, %get3A_398, %get3A_399] : memref<8x256x512xi32, #tpu.memory_space<vmem>>, vector<1x256x512xi32>
    %get3A_401 = vector.shape_cast %get3A_400 : vector<1x256x512xi32> to vector<256x512xi32>
    %get3A_402 = arith.constant dense<0> : vector<256x512xi32>
    %get3A_403 = arith.cmpi ne, %get3A_401, %get3A_402 : vector<256x512xi32>
    %transpose3A_404 = tpu.transpose %get3A_403, [1, 0] : vector<256x512xi1> -> vector<512x256xi1>
    %jit3A_405 = arith.constant 0xFF800000 : f32
    %broadcast_in_dim3A_406 = vector.broadcast %jit3A_405 : f32 to vector<512x256xf32>
    %select_n3A_407 = arith.select %transpose3A_404, %broadcast_in_dim3A_406, %dot_general3A_396 : vector<512x256xi1>, vector<512x256xf32>
    %swap3A_408 = arith.constant 0 : index
    %swap3A_409 = arith.constant 7 : index
    %swap3A_410 = arith.constant 0 : index
    %swap3A_411 = arith.constant 0 : index
    %swap3A_412 = vector.load %arg10[%swap3A_408, %swap3A_409, %swap3A_410, %swap3A_411] : memref<1x8x512x256xf32, #tpu.memory_space<vmem>>, vector<1x1x512x256xf32>
    %swap3A_413 = vector.shape_cast %swap3A_412 : vector<1x1x512x256xf32> to vector<512x256xf32>
    %swap3A_414 = vector.shape_cast %select_n3A_407 : vector<512x256xf32> to vector<1x1x512x256xf32>
    tpu.vector_store %arg10[%swap3A_408, %swap3A_409, %swap3A_410, %swap3A_411], %swap3A_414 {strides = array<i32>} : memref<1x8x512x256xf32, #tpu.memory_space<vmem>>, vector<1x1x512x256xf32>,
    %reduce_max3A_415 = arith.constant dense<0xFF800000> : vector<256xf32>
    %reduce_max3A_416 = vector.multi_reduction <maximumf>, %select_n3A_407, %reduce_max3A_415 [0] : vector<512x256xf32> to vector<256xf32>
    %argmax3A_417 = tpu.reduce_index %select_n3A_407 {axis = 0 : i32, kind = #tpu.reduction_kind<arg_max>} : vector<512x256xf32> -> vector<256xi32>
    %mul3A_418 = arith.constant 512 : i32
    %mul3A_419 = arith.muli %arg1, %mul3A_418 : i32
    %add3A_420 = vector.broadcast %mul3A_419 : i32 to vector<256xi32>
    %add3A_421 = arith.addi %argmax3A_417, %add3A_420 : vector<256xi32>
    %get3A_422 = arith.constant 7 : index
    %get3A_423 = arith.constant 0 : index
    %get3A_424 = vector.load %arg13[%get3A_422, %get3A_423] : memref<8x256xf32, #tpu.memory_space<vmem>>, vector<1x256xf32>
    %get3A_425 = vector.shape_cast %get3A_424 : vector<1x256xf32> to vector<256xf32>
    %gt3A_426 = arith.cmpf ogt, %reduce_max3A_416, %get3A_425 : vector<256xf32>
    %get3A_427 = arith.constant 7 : index
    %get3A_428 = arith.constant 0 : index
    %get3A_429 = vector.load %arg13[%get3A_427, %get3A_428] : memref<8x256xf32, #tpu.memory_space<vmem>>, vector<1x256xf32>
    %get3A_430 = vector.shape_cast %get3A_429 : vector<1x256xf32> to vector<256xf32>
    %select_n3A_431 = arith.select %gt3A_426, %reduce_max3A_416, %get3A_430 : vector<256xi1>, vector<256xf32>
    %swap3A_432 = arith.constant 7 : index
    %swap3A_433 = arith.constant 0 : index
    %swap3A_434 = vector.load %arg13[%swap3A_432, %swap3A_433] : memref<8x256xf32, #tpu.memory_space<vmem>>, vector<1x256xf32>
    %swap3A_435 = vector.shape_cast %swap3A_434 : vector<1x256xf32> to vector<256xf32>
    %swap3A_436 = vector.shape_cast %select_n3A_431 : vector<256xf32> to vector<1x256xf32>
    tpu.vector_store %arg13[%swap3A_432, %swap3A_433], %swap3A_436 {strides = array<i32>} : memref<8x256xf32, #tpu.memory_space<vmem>>, vector<1x256xf32>,
    %get3A_437 = arith.constant 7 : index
    %get3A_438 = arith.constant 0 : index
    %get3A_439 = vector.load %arg14[%get3A_437, %get3A_438] : memref<8x256xi32, #tpu.memory_space<vmem>>, vector<1x256xi32>
    %get3A_440 = vector.shape_cast %get3A_439 : vector<1x256xi32> to vector<256xi32>
    %select_n3A_441 = arith.select %gt3A_426, %add3A_421, %get3A_440 : vector<256xi1>, vector<256xi32>
    %swap3A_442 = arith.constant 7 : index
    %swap3A_443 = arith.constant 0 : index
    %swap3A_444 = vector.load %arg14[%swap3A_442, %swap3A_443] : memref<8x256xi32, #tpu.memory_space<vmem>>, vector<1x256xi32>
    %swap3A_445 = vector.shape_cast %swap3A_444 : vector<1x256xi32> to vector<256xi32>
    %swap3A_446 = vector.shape_cast %select_n3A_441 : vector<256xi32> to vector<1x256xi32>
    tpu.vector_store %arg14[%swap3A_442, %swap3A_443], %swap3A_446 {strides = array<i32>} : memref<8x256xi32, #tpu.memory_space<vmem>>, vector<1x256xi32>,
    %eq3A_447 = arith.constant 3 : i32
    %eq3A_448 = arith.cmpi eq, %arg1, %eq3A_447 : i32
    %convert_element_type3A_449 = arith.extui %eq3A_448 : i1 to i32
    %cond3A_450 = arith.constant 0 : i32
    %cond3A_451 = arith.cmpi ne, %convert_element_type3A_449, %cond3A_450 : i32
    scf.if %cond3A_451 {
      %iota3A = tpu.iota {dimensions = array<i32: 0>} : vector<8x256xi32>
      %get3A_452 = arith.constant 0 : index
      %get3A_453 = arith.constant 0 : index
      %get3A_454 = vector.load %arg14[%get3A_452, %get3A_453] : memref<8x256xi32, #tpu.memory_space<vmem>>, vector<8x256xi32>
      %mul3A_455 = arith.constant 8 : i32
      %mul3A_456 = vector.broadcast %mul3A_455 : i32 to vector<8x256xi32>
      %mul3A_457 = arith.muli %get3A_454, %mul3A_456 : vector<8x256xi32>
      %mul3A_458 = arith.constant 16384 : i32
      %mul3A_459 = arith.muli %arg0, %mul3A_458 : i32
      %add3A_460 = vector.broadcast %mul3A_459 : i32 to vector<8x256xi32>
      %add3A_461 = arith.addi %add3A_460, %iota3A : vector<8x256xi32>
      %add3A_462 = arith.addi %mul3A_457, %add3A_461 : vector<8x256xi32>
      %swap3A_463 = arith.constant 0 : index
      %swap3A_464 = arith.constant 0 : index
      %swap3A_465 = arith.constant 0 : index
      %swap3A_466 = vector.load %arg11[%swap3A_463, %swap3A_464, %swap3A_465] : memref<1x8x256xi32, #tpu.memory_space<vmem>>, vector<1x8x256xi32>
      %swap3A_467 = vector.shape_cast %swap3A_466 : vector<1x8x256xi32> to vector<8x256xi32>
      %swap3A_468 = vector.shape_cast %add3A_462 : vector<8x256xi32> to vector<1x8x256xi32>
      tpu.vector_store %arg11[%swap3A_463, %swap3A_464, %swap3A_465], %swap3A_468 {strides = array<i32>} : memref<1x8x256xi32, #tpu.memory_space<vmem>>, vector<1x8x256xi32>,
    } else {
    }
    return
  }
  func.func @transform_0(%arg0: i32, %arg1: i32) -> (i32, i32, i32) {
    %c0_i32 = arith.constant 0 : i32
    %c0_i32_0 = arith.constant 0 : i32
    %c0_i32_1 = arith.constant 0 : i32
    return %arg0, %c0_i32, %c0_i32_0 : i32, i32, i32
  }
  func.func @transform_1(%arg0: i32, %arg1: i32) -> (i32, i32, i32) {
    %c0_i32 = arith.constant 0 : i32
    %c0_i32_0 = arith.constant 0 : i32
    %c0_i32_1 = arith.constant 0 : i32
    return %arg0, %c0_i32, %c0_i32_0 : i32, i32, i32
  }
  func.func @transform_2(%arg0: i32, %arg1: i32) -> (i32, i32, i32) {
    %c0_i32 = arith.constant 0 : i32
    %c0_i32_0 = arith.constant 0 : i32
    return %arg0, %arg1, %c0_i32 : i32, i32, i32
  }
  func.func @transform_3(%arg0: i32, %arg1: i32) -> (i32, i32, i32) {
    %c0_i32 = arith.constant 0 : i32
    %c0_i32_0 = arith.constant 0 : i32
    return %arg0, %arg1, %c0_i32 : i32, i32, i32
  }
  func.func @transform_4(%arg0: i32, %arg1: i32) -> (i32, i32, i32) {
    %c0_i32 = arith.constant 0 : i32
    %c0_i32_0 = arith.constant 0 : i32
    return %arg0, %c0_i32, %arg1 : i32, i32, i32
  }
  func.func @transform_5(%arg0: i32, %arg1: i32) -> (i32, i32) {
    %c0_i32 = arith.constant 0 : i32
    %c0_i32_0 = arith.constant 0 : i32
    %c0_i32_1 = arith.constant 0 : i32
    return %c0_i32, %c0_i32_0 : i32, i32
  }
  func.func @transform_6(%arg0: i32, %arg1: i32) -> (i32, i32) {
    %c0_i32 = arith.constant 0 : i32
    %c0_i32_0 = arith.constant 0 : i32
    %c0_i32_1 = arith.constant 0 : i32
    return %c0_i32, %c0_i32_0 : i32, i32
  }
  func.func @transform_7(%arg0: i32, %arg1: i32) -> (i32, i32, i32) {
    %c0_i32 = arith.constant 0 : i32
    %c0_i32_0 = arith.constant 0 : i32
    return %arg0, %arg1, %c0_i32 : i32, i32, i32
  }
  func.func @transform_8(%arg0: i32, %arg1: i32) -> (i32, i32, i32, i32) {
    %c0_i32 = arith.constant 0 : i32
    %c0_i32_0 = arith.constant 0 : i32
    %c0_i32_1 = arith.constant 0 : i32
    return %arg0, %c0_i32, %arg1, %c0_i32_0 : i32, i32, i32, i32
  }
  func.func @transform_9(%arg0: i32, %arg1: i32) -> (i32, i32, i32) {
    %c0_i32 = arith.constant 0 : i32
    %c0_i32_0 = arith.constant 0 : i32
    %c0_i32_1 = arith.constant 0 : i32
    return %arg0, %c0_i32, %c0_i32_0 : i32, i32, i32
  }
}

module attributes {stable_mosaic.version = 14 : i64} {
  func.func @_epi_kernel(%arg0: i32, %arg1: memref<1x256x256xf32, #tpu.memory_space<vmem>>, %arg2: memref<1x256x256xf32, #tpu.memory_space<vmem>>, %arg3: memref<1x256x256xf32, #tpu.memory_space<vmem>>, %arg4: memref<1x256xf32, #tpu.memory_space<vmem>>, %arg5: memref<1x256xf32, #tpu.memory_space<vmem>>, %arg6: memref<256x256xf32, #tpu.memory_space<vmem>>, %arg7: memref<1x256xf32, #tpu.memory_space<vmem>>, %arg8: memref<256x256xf32, #tpu.memory_space<vmem>>, %arg9: memref<1x256xf32, #tpu.memory_space<vmem>>, %arg10: memref<1x256xf32, #tpu.memory_space<vmem>>, %arg11: memref<1x256x256xf32, #tpu.memory_space<vmem>>) attributes {dimension_semantics = [#tpu.dimension_semantics<arbitrary>], iteration_bounds = array<i64: 8>, scalar_prefetch = 0 : i64, scratch_operands = 0 : i64, tpu.core_type = #tpu.core_type<tc>, window_params = [{transform_indices = @transform_0, window_bounds = array<i64: 1, 256, 256>}, {transform_indices = @transform_1, window_bounds = array<i64: 1, 256, 256>}, {transform_indices = @transform_2, window_bounds = array<i64: 1, 256, 256>}, {pipeline_mode = #tpu.pipeline_mode<synchronous>, transform_indices = @transform_3, window_bounds = array<i64: 1, 256>}, {pipeline_mode = #tpu.pipeline_mode<synchronous>, transform_indices = @transform_4, window_bounds = array<i64: 1, 256>}, {pipeline_mode = #tpu.pipeline_mode<synchronous>, transform_indices = @transform_5, window_bounds = array<i64: 256, 256>}, {pipeline_mode = #tpu.pipeline_mode<synchronous>, transform_indices = @transform_6, window_bounds = array<i64: 1, 256>}, {pipeline_mode = #tpu.pipeline_mode<synchronous>, transform_indices = @transform_7, window_bounds = array<i64: 256, 256>}, {pipeline_mode = #tpu.pipeline_mode<synchronous>, transform_indices = @transform_8, window_bounds = array<i64: 1, 256>}, {pipeline_mode = #tpu.pipeline_mode<synchronous>, transform_indices = @transform_9, window_bounds = array<i64: 1, 256>}, {transform_indices = @transform_10, window_bounds = array<i64: 1, 256, 256>}]} {
    %get3A = arith.constant 0 : index
    %get3A_0 = arith.constant 0 : index
    %get3A_1 = arith.constant 0 : index
    %get3A_2 = vector.load %arg1[%get3A, %get3A_0, %get3A_1] : memref<1x256x256xf32, #tpu.memory_space<vmem>>, vector<1x256x256xf32>
    %get3A_3 = vector.shape_cast %get3A_2 : vector<1x256x256xf32> to vector<256x256xf32>
    %reduce_sum3A = arith.constant dense<0.000000e+00> : vector<256xf32>
    %reduce_sum3A_4 = vector.multi_reduction <add>, %get3A_3, %reduce_sum3A [1] : vector<256x256xf32> to vector<256xf32>
    %broadcast_in_dim3A = vector.shape_cast %reduce_sum3A_4 : vector<256xf32> to vector<256x1xf32>
    %div3A = arith.constant 2.560000e+02 : f32
    %div3A_5 = vector.broadcast %div3A : f32 to vector<256x1xf32>
    %div3A_6 = arith.divf %broadcast_in_dim3A, %div3A_5 : vector<256x1xf32>
    %sub3A = vector.broadcast %div3A_6 : vector<256x1xf32> to vector<256x256xf32>
    %sub3A_7 = arith.subf %get3A_3, %sub3A : vector<256x256xf32>
    %integer_pow3A = arith.mulf %sub3A_7, %sub3A_7 : vector<256x256xf32>
    %reduce_sum3A_8 = arith.constant dense<0.000000e+00> : vector<256xf32>
    %reduce_sum3A_9 = vector.multi_reduction <add>, %integer_pow3A, %reduce_sum3A_8 [1] : vector<256x256xf32> to vector<256xf32>
    %broadcast_in_dim3A_10 = vector.shape_cast %reduce_sum3A_9 : vector<256xf32> to vector<256x1xf32>
    %div3A_11 = arith.constant 2.560000e+02 : f32
    %div3A_12 = vector.broadcast %div3A_11 : f32 to vector<256x1xf32>
    %div3A_13 = arith.divf %broadcast_in_dim3A_10, %div3A_12 : vector<256x1xf32>
    %sub3A_14 = vector.broadcast %div3A_6 : vector<256x1xf32> to vector<256x256xf32>
    %sub3A_15 = arith.subf %get3A_3, %sub3A_14 : vector<256x256xf32>
    %add3A = arith.constant 9.99999974E-6 : f32
    %add3A_16 = vector.broadcast %add3A : f32 to vector<256x1xf32>
    %add3A_17 = arith.addf %div3A_13, %add3A_16 : vector<256x1xf32>
    %sqrt3A = math.sqrt %add3A_17 : vector<256x1xf32>
    %div3A_18 = vector.broadcast %sqrt3A : vector<256x1xf32> to vector<256x256xf32>
    %div3A_19 = arith.divf %sub3A_15, %div3A_18 : vector<256x256xf32>
    %get3A_20 = arith.constant 0 : index
    %get3A_21 = arith.constant 0 : index
    %get3A_22 = vector.load %arg4[%get3A_20, %get3A_21] : memref<1x256xf32, #tpu.memory_space<vmem>>, vector<1x256xf32>
    %get3A_23 = vector.shape_cast %get3A_22 : vector<1x256xf32> to vector<256xf32>
    %broadcast_in_dim3A_24 = vector.shape_cast %get3A_23 : vector<256xf32> to vector<1x256xf32>
    %mul3A = vector.broadcast %broadcast_in_dim3A_24 : vector<1x256xf32> to vector<256x256xf32>
    %mul3A_25 = arith.mulf %div3A_19, %mul3A : vector<256x256xf32>
    %get3A_26 = arith.constant 0 : index
    %get3A_27 = arith.constant 0 : index
    %get3A_28 = vector.load %arg5[%get3A_26, %get3A_27] : memref<1x256xf32, #tpu.memory_space<vmem>>, vector<1x256xf32>
    %get3A_29 = vector.shape_cast %get3A_28 : vector<1x256xf32> to vector<256xf32>
    %broadcast_in_dim3A_30 = vector.shape_cast %get3A_29 : vector<256xf32> to vector<1x256xf32>
    %add3A_31 = vector.broadcast %broadcast_in_dim3A_30 : vector<1x256xf32> to vector<256x256xf32>
    %add3A_32 = arith.addf %mul3A_25, %add3A_31 : vector<256x256xf32>
    %get3A_33 = arith.constant 0 : index
    %get3A_34 = arith.constant 0 : index
    %get3A_35 = arith.constant 0 : index
    %get3A_36 = vector.load %arg2[%get3A_33, %get3A_34, %get3A_35] : memref<1x256x256xf32, #tpu.memory_space<vmem>>, vector<1x256x256xf32>
    %get3A_37 = vector.shape_cast %get3A_36 : vector<1x256x256xf32> to vector<256x256xf32>
    %add3A_38 = arith.addf %add3A_32, %get3A_37 : vector<256x256xf32>
    %mul3A_39 = arith.mulf %add3A_38, %add3A_38 : vector<256x256xf32>
    %reduce_sum3A_40 = arith.constant dense<0.000000e+00> : vector<256xf32>
    %reduce_sum3A_41 = vector.multi_reduction <add>, %mul3A_39, %reduce_sum3A_40 [1] : vector<256x256xf32> to vector<256xf32>
    %broadcast_in_dim3A_42 = vector.shape_cast %reduce_sum3A_41 : vector<256xf32> to vector<256x1xf32>
    %sqrt3A_43 = math.sqrt %broadcast_in_dim3A_42 : vector<256x1xf32>
    %max3A = arith.constant 9.99999996E-13 : f32
    %max3A_44 = vector.broadcast %max3A : f32 to vector<256x1xf32>
    %max3A_45 = arith.maximumf %sqrt3A_43, %max3A_44 : vector<256x1xf32>
    %div3A_46 = vector.broadcast %max3A_45 : vector<256x1xf32> to vector<256x256xf32>
    %div3A_47 = arith.divf %add3A_38, %div3A_46 : vector<256x256xf32>
    %get3A_48 = arith.constant 0 : index
    %get3A_49 = arith.constant 0 : index
    %get3A_50 = arith.constant 0 : index
    %get3A_51 = vector.load %arg3[%get3A_48, %get3A_49, %get3A_50] : memref<1x256x256xf32, #tpu.memory_space<vmem>>, vector<1x256x256xf32>
    %get3A_52 = vector.shape_cast %get3A_51 : vector<1x256x256xf32> to vector<256x256xf32>
    %mul3A_53 = arith.mulf %get3A_52, %div3A_47 : vector<256x256xf32>
    %get3A_54 = arith.constant 0 : index
    %get3A_55 = arith.constant 0 : index
    %get3A_56 = vector.load %arg6[%get3A_54, %get3A_55] : memref<256x256xf32, #tpu.memory_space<vmem>>, vector<256x256xf32>
    %dot_general3A = arith.constant dense<0.000000e+00> : vector<256x256xf32>
    %dot_general3A_57 = tpu.matmul %mul3A_53, %get3A_56, %dot_general3A {dimension_numbers = #tpu.dot_dimension_numbers<[1], [1], [0], [0], [0, 0, 1, 0], [], []>, transpose_lhs_hint = false} : vector<256x256xf32>, vector<256x256xf32>, vector<256x256xf32> -> vector<256x256xf32>
    %get3A_58 = arith.constant 0 : index
    %get3A_59 = arith.constant 0 : index
    %get3A_60 = vector.load %arg7[%get3A_58, %get3A_59] : memref<1x256xf32, #tpu.memory_space<vmem>>, vector<1x256xf32>
    %get3A_61 = vector.shape_cast %get3A_60 : vector<1x256xf32> to vector<256xf32>
    %broadcast_in_dim3A_62 = vector.shape_cast %get3A_61 : vector<256xf32> to vector<1x256xf32>
    %add3A_63 = vector.broadcast %broadcast_in_dim3A_62 : vector<1x256xf32> to vector<256x256xf32>
    %add3A_64 = arith.addf %dot_general3A_57, %add3A_63 : vector<256x256xf32>
    %mul3A_65 = arith.mulf %add3A_64, %add3A_64 : vector<256x256xf32>
    %reduce_sum3A_66 = arith.constant dense<0.000000e+00> : vector<256xf32>
    %reduce_sum3A_67 = vector.multi_reduction <add>, %mul3A_65, %reduce_sum3A_66 [0] : vector<256x256xf32> to vector<256xf32>
    %broadcast_in_dim3A_68 = vector.shape_cast %reduce_sum3A_67 : vector<256xf32> to vector<1x256xf32>
    %sqrt3A_69 = math.sqrt %broadcast_in_dim3A_68 : vector<1x256xf32>
    %max3A_70 = arith.constant 9.99999996E-13 : f32
    %max3A_71 = vector.broadcast %max3A_70 : f32 to vector<1x256xf32>
    %max3A_72 = arith.maximumf %sqrt3A_69, %max3A_71 : vector<1x256xf32>
    %div3A_73 = vector.broadcast %max3A_72 : vector<1x256xf32> to vector<256x256xf32>
    %div3A_74 = arith.divf %add3A_64, %div3A_73 : vector<256x256xf32>
    %get3A_75 = arith.constant 0 : index
    %get3A_76 = arith.constant 0 : index
    %get3A_77 = vector.load %arg10[%get3A_75, %get3A_76] : memref<1x256xf32, #tpu.memory_space<vmem>>, vector<1x256xf32>
    %get3A_78 = vector.shape_cast %get3A_77 : vector<1x256xf32> to vector<256xf32>
    %broadcast_in_dim3A_79 = vector.shape_cast %get3A_78 : vector<256xf32> to vector<1x256xf32>
    %mul3A_80 = vector.broadcast %broadcast_in_dim3A_79 : vector<1x256xf32> to vector<256x256xf32>
    %mul3A_81 = arith.mulf %div3A_74, %mul3A_80 : vector<256x256xf32>
    %add3A_82 = arith.addf %mul3A_81, %get3A_52 : vector<256x256xf32>
    %get3A_83 = arith.constant 0 : index
    %get3A_84 = arith.constant 0 : index
    %get3A_85 = vector.load %arg8[%get3A_83, %get3A_84] : memref<256x256xf32, #tpu.memory_space<vmem>>, vector<256x256xf32>
    %dot_general3A_86 = arith.constant dense<0.000000e+00> : vector<256x256xf32>
    %dot_general3A_87 = tpu.matmul %add3A_82, %get3A_85, %dot_general3A_86 {dimension_numbers = #tpu.dot_dimension_numbers<[1], [1], [0], [0], [0, 0, 1, 0], [], []>, transpose_lhs_hint = false} : vector<256x256xf32>, vector<256x256xf32>, vector<256x256xf32> -> vector<256x256xf32>
    %get3A_88 = arith.constant 0 : index
    %get3A_89 = arith.constant 0 : index
    %get3A_90 = vector.load %arg9[%get3A_88, %get3A_89] : memref<1x256xf32, #tpu.memory_space<vmem>>, vector<1x256xf32>
    %get3A_91 = vector.shape_cast %get3A_90 : vector<1x256xf32> to vector<256xf32>
    %broadcast_in_dim3A_92 = vector.shape_cast %get3A_91 : vector<256xf32> to vector<1x256xf32>
    %add3A_93 = vector.broadcast %broadcast_in_dim3A_92 : vector<1x256xf32> to vector<256x256xf32>
    %add3A_94 = arith.addf %dot_general3A_87, %add3A_93 : vector<256x256xf32>
    %add3A_95 = arith.addf %add3A_94, %add3A_32 : vector<256x256xf32>
    %swap3A = arith.constant 0 : index
    %swap3A_96 = arith.constant 0 : index
    %swap3A_97 = arith.constant 0 : index
    %swap3A_98 = vector.load %arg11[%swap3A, %swap3A_96, %swap3A_97] : memref<1x256x256xf32, #tpu.memory_space<vmem>>, vector<1x256x256xf32>
    %swap3A_99 = vector.shape_cast %swap3A_98 : vector<1x256x256xf32> to vector<256x256xf32>
    %swap3A_100 = vector.shape_cast %add3A_95 : vector<256x256xf32> to vector<1x256x256xf32>
    tpu.vector_store %arg11[%swap3A, %swap3A_96, %swap3A_97], %swap3A_100 {strides = array<i32>} : memref<1x256x256xf32, #tpu.memory_space<vmem>>, vector<1x256x256xf32>,
    return
  }
  func.func @transform_0(%arg0: i32) -> (i32, i32, i32) {
    %c0_i32 = arith.constant 0 : i32
    %c0_i32_0 = arith.constant 0 : i32
    %c0_i32_1 = arith.constant 0 : i32
    return %arg0, %c0_i32, %c0_i32_0 : i32, i32, i32
  }
  func.func @transform_1(%arg0: i32) -> (i32, i32, i32) {
    %c0_i32 = arith.constant 0 : i32
    %c0_i32_0 = arith.constant 0 : i32
    %c0_i32_1 = arith.constant 0 : i32
    return %arg0, %c0_i32, %c0_i32_0 : i32, i32, i32
  }
  func.func @transform_2(%arg0: i32) -> (i32, i32, i32) {
    %c0_i32 = arith.constant 0 : i32
    %c0_i32_0 = arith.constant 0 : i32
    %c0_i32_1 = arith.constant 0 : i32
    return %arg0, %c0_i32, %c0_i32_0 : i32, i32, i32
  }
  func.func @transform_3(%arg0: i32) -> (i32, i32) {
    %c0_i32 = arith.constant 0 : i32
    %c0_i32_0 = arith.constant 0 : i32
    %c0_i32_1 = arith.constant 0 : i32
    return %c0_i32, %c0_i32_0 : i32, i32
  }
  func.func @transform_4(%arg0: i32) -> (i32, i32) {
    %c0_i32 = arith.constant 0 : i32
    %c0_i32_0 = arith.constant 0 : i32
    %c0_i32_1 = arith.constant 0 : i32
    return %c0_i32, %c0_i32_0 : i32, i32
  }
  func.func @transform_5(%arg0: i32) -> (i32, i32) {
    %c0_i32 = arith.constant 0 : i32
    %c0_i32_0 = arith.constant 0 : i32
    %c0_i32_1 = arith.constant 0 : i32
    return %c0_i32, %c0_i32_0 : i32, i32
  }
  func.func @transform_6(%arg0: i32) -> (i32, i32) {
    %c0_i32 = arith.constant 0 : i32
    %c0_i32_0 = arith.constant 0 : i32
    %c0_i32_1 = arith.constant 0 : i32
    return %c0_i32, %c0_i32_0 : i32, i32
  }
  func.func @transform_7(%arg0: i32) -> (i32, i32) {
    %c0_i32 = arith.constant 0 : i32
    %c0_i32_0 = arith.constant 0 : i32
    %c0_i32_1 = arith.constant 0 : i32
    return %c0_i32, %c0_i32_0 : i32, i32
  }
  func.func @transform_8(%arg0: i32) -> (i32, i32) {
    %c0_i32 = arith.constant 0 : i32
    %c0_i32_0 = arith.constant 0 : i32
    %c0_i32_1 = arith.constant 0 : i32
    return %c0_i32, %c0_i32_0 : i32, i32
  }
  func.func @transform_9(%arg0: i32) -> (i32, i32) {
    %c0_i32 = arith.constant 0 : i32
    %c0_i32_0 = arith.constant 0 : i32
    %c0_i32_1 = arith.constant 0 : i32
    return %c0_i32, %c0_i32_0 : i32, i32
  }
  func.func @transform_10(%arg0: i32) -> (i32, i32, i32) {
    %c0_i32 = arith.constant 0 : i32
    %c0_i32_0 = arith.constant 0 : i32
    %c0_i32_1 = arith.constant 0 : i32
    return %arg0, %c0_i32, %c0_i32_0 : i32, i32, i32
  }
}

</mosaic_0001>

<sc_bundles>
// kernel: _run.5.cloned.1.call-start
scs
__scs_entry_jumppad:
0x0: {  	(pc) =	sbr.rel $0x88, $3  }
0x1: {  	(tag) =	ssettag $0x0;
	lr =	simm.s32 $0x1  }
0x2: {  	[smem:$0x3F95] =	sst lr;
	_ =	strace $0xD0000000  }
0x3: {  	_ = 	snop  }
0x4: {  	_ = 	snop  }
0x5: {  	_ = 	snop  }
0x6: {  	_ = 	snop  }
0x7: {  	_ = 	snop  }
__scs_overlays_trampoline_lowered:
0x8: {  	[smem:$0x3FA4] =	sst s0  }
0x9: {  	[smem:$0x3FA5] =	sst s1  }
0xa: {  	[smem:$0x3FA6] =	sst s2  }
0xb: {  	[smem:$0x3FA7] =	sst s3  }
0xc: {  	[smem:$0x3FA8] =	sst s4  }
0xd: {  	[smem:$0x3FA9] =	sst s5  }
0xe: {  	[smem:$0x3FAA] =	sst s6  }
0xf: {  	[smem:$0x3FAB] =	sst s7  }
0x10: {  	[smem:$0x3FAC] =	sst s8  }
0x11: {  	[smem:$0x3FAD] =	sst s9;
	s0 =	simm.s32 @!p0 $0x0  }
0x12: {  	s1 =	sld [smem:$0x3F93];
	s0 =	simm.s32 @p0 $0x1  }
0x13: {  	[smem:$0x3FAE] =	sst s0;
	s0 =	simm.s32 @!p1 $0x0  }
0x14: {  	s2 =	sld [smem:$0x3F92];
	s0 =	simm.s32 @p1 $0x1  }
0x15: {  	[smem:$0x3FAF] =	sst s0;
	s0 =	simm.s32 @!p2 $0x0  }
0x16: {  	s3 =	sld [smem:$0x3FDB];
	s0 =	simm.s32 @p2 $0x1  }
0x17: {  	s4 =	simm.s32 $0x1BF5;
	[smem:$0x3FB1] =	sst s0  }
0x18: {  	s0 =	sld [smem:$0x3F94];
	_ =	swait.ge [sflag:s4], $0x0  }
0x19: {  	s7 =	sld [smem:$0x3F95]  }
0x1a: {  	s8 =	sadd.s32 $0xFFFFE003, lr  }
0x1b: {  	s9 =	sadd.s32 $0xFFFFFEF7, lr;
	s5 =	simm.s32 $0xFFFFFFFF;
	p2 =	slt.u32 s8, $0xFFFFF086  }
0x1c: {  	p1 =	slt.u32 s9, $0xF7A;
	s5 =	simm.s32 @!p2 $0x0  }
0x1d: {  	s5 =	simm.s32 @p1 $0x1;
	p0 =	seq.s32 s7, s2  }
0x1e: {  	s7 =	smul.u32 @!p0 $0xF7A, s2;
	p2 =	seq.s32 @!p0 s5, $0x0  }
0x1f: {  	s9 =	smul.u32 $0xF7A, s1;
	s8 =	simm.s32 @!p0 $0x1BF5;
	p2 =	por !p2, p0  }
0x20: {  	[sflag:s8] =	ssyncset.s32 @!p0 $0xFFFFF086;
	s6 =	sadd.s32 @!p0 s3, s7;
	s7 =	simm.s32 @!p0 $0x108  }
0x21: {  	s3 =	sadd.s32 s3, s9;
	s6 =	sadd.s32 @!p0 $0x88, s6;
	s7 =	simm.s32 @p2 $0x1082  }
0x22: {  	[simem:s7], [sflag:s8] =	dma.local @!p0 [hbm:s6], $0xF7A  }
0x23: {  	s9 =	sor.u32 $0xD0000000, s2;
	s6 =	simm.s32 $0x108;
	_ =	swait.ge @!p0 [sflag:s8], $0x0  }
0x24: {  	s3 =	sadd.s32 $0x88, s3;
	s6 =	simm.s32 @!p1 $0x1082;
	[sflag:s4] =	ssyncset.s32 $0xFFFFF086  }
0x25: {  	[simem:s6], [sflag:s4] =	dma.local [hbm:s3], $0xF7A  }
0x26: {  	[smem:$0x3F95] =	sst s1;
	(tag) =	ssettag s2;
	_ =	strace s9  }
0x27: {  	s1 =	sld [smem:$0x3FA5]  }
0x28: {  	s2 =	sld [smem:$0x3FA6]  }
0x29: {  	s4 =	sld [smem:$0x3FA8]  }
0x2a: {  	p0 =	seq.s32 s5, $0x0;
	s5 =	sld [smem:$0x3FA9]  }
0x2b: {  	s6 =	sld [smem:$0x3FAA]  }
0x2c: {  	s7 =	sld [smem:$0x3FAB]  }
0x2d: {  	s3 =	simm.s32 $0x108;
	s8 =	sld [smem:$0x3FAC]  }
0x2e: {  	s3 =	simm.s32 @!p0 $0x1082;
	s9 =	sld [smem:$0x3FAD]  }
0x2f: {  	lr =	sadd.s32 s0, s3;
	s0 =	sld [smem:$0x3FA4]  }
0x30: {  	s3 =	sld [smem:$0x3FA7]  }
0x31: {  	[smem:$0x3FB0] =	sst s10  }
0x32: {  	s10 =	sld [smem:$0x3FAE];
	_ =	sdelay $0x3  }
0x33: {  	p0 =	seq.s32 s10, $0x1;
	s10 =	sld [smem:$0x3FB0];
	_ =	sdelay $0x3  }
0x34: {  	[smem:$0x3FB0] =	sst s10  }
0x35: {  	s10 =	sld [smem:$0x3FAF];
	_ =	sdelay $0x3  }
0x36: {  	p1 =	seq.s32 s10, $0x1;
	s10 =	sld [smem:$0x3FB0];
	_ =	sdelay $0x3  }
0x37: {  	[smem:$0x3FB0] =	sst s10  }
0x38: {  	s10 =	sld [smem:$0x3FB1]  }
0x39: {  	_ = 	snop;
	(pc) =	sbr.ind lr, $3  }
0x3a: {  	_ = 	snop  }
0x3b: {  	_ = 	snop  }
0x3c: {  	p2 =	seq.s32 s10, $0x1;
	s10 =	sld [smem:$0x3FB0]  }
0x3d: {  	_ =	shalt  }
0x3e: {  	_ =	shalt  }
0x3f: {  	_ =	shalt  }
0x40: {  	_ =	shalt  }
0x41: {  	_ =	shalt  }
0x42: {  	_ =	shalt  }
0x43: {  	_ =	shalt  }
0x44: {  	_ =	shalt  }
0x45: {  	_ =	shalt  }
0x46: {  	_ =	shalt  }
0x47: {  	_ =	shalt  }
0x48: {  	_ =	shalt  }
0x49: {  	_ =	shalt  }
0x4a: {  	_ =	shalt  }
0x4b: {  	_ =	shalt  }
0x4c: {  	_ =	shalt  }
0x4d: {  	_ =	shalt  }
0x4e: {  	_ =	shalt  }
0x4f: {  	_ =	shalt  }
0x50: {  	_ =	shalt  }
0x51: {  	_ =	shalt  }
0x52: {  	_ =	shalt  }
0x53: {  	_ =	shalt  }
0x54: {  	_ =	shalt  }
0x55: {  	_ =	shalt  }
0x56: {  	_ =	shalt  }
0x57: {  	_ =	shalt  }
0x58: {  	_ =	shalt  }
0x59: {  	_ =	shalt  }
0x5a: {  	_ =	shalt  }
0x5b: {  	_ =	shalt  }
0x5c: {  	_ =	shalt  }
0x5d: {  	_ =	shalt  }
0x5e: {  	_ =	shalt  }
0x5f: {  	_ =	shalt  }
0x60: {  	_ =	shalt  }
0x61: {  	_ =	shalt  }
0x62: {  	_ =	shalt  }
0x63: {  	_ =	shalt  }
0x64: {  	_ =	shalt  }
0x65: {  	_ =	shalt  }
0x66: {  	_ =	shalt  }
0x67: {  	_ =	shalt  }
0x68: {  	_ =	shalt  }
0x69: {  	_ =	shalt  }
0x6a: {  	_ =	shalt  }
0x6b: {  	_ =	shalt  }
0x6c: {  	_ =	shalt  }
0x6d: {  	_ =	shalt  }
0x6e: {  	_ =	shalt  }
0x6f: {  	_ =	shalt  }
0x70: {  	_ =	shalt  }
0x71: {  	_ =	shalt  }
0x72: {  	_ =	shalt  }
0x73: {  	_ =	shalt  }
0x74: {  	_ =	shalt  }
0x75: {  	_ =	shalt  }
0x76: {  	_ =	shalt  }
0x77: {  	_ =	shalt  }
0x78: {  	_ =	shalt  }
0x79: {  	_ =	shalt  }
0x7a: {  	_ =	shalt  }
0x7b: {  	_ =	shalt  }
0x7c: {  	_ =	shalt  }
0x7d: {  	_ =	shalt  }
0x7e: {  	_ =	shalt  }
0x7f: {  	_ =	shalt  }
0x80: {  	_ =	shalt  }
0x81: {  	_ =	shalt  }
0x82: {  	_ =	shalt  }
0x83: {  	_ =	shalt  }
0x84: {  	_ =	shalt  }
0x85: {  	_ =	shalt  }
0x86: {  	_ =	shalt  }
0x87: {  	_ =	shalt  }
.Lfunc_end0:
.L_simem_size_0:
called_computation_lowered:
.L_overlay_start_0:
0x88: {  	s2 =	sld [smem:$0x3FD9]  }
0x89: {  	s3 =	sld [smem:$0x3FFE];
	_ =	sdelay $0x1  }
0x8a: {  	s1 =	srdreg.scid  }
0x8b: {  	s0 =	sand.u32 $0x1, s1  }
0x8c: {  	s14 =	sshll.u32 s0, $0xA;
	s2 =	sadd.s32 s3, s2  }
0x8d: {  	s2 =	sadd.s32 s2, s14  }
0x8e: {  	[smem:$0x3FBC] =	sst s2  }
0x8f: {  	_ = 	snop  }
0x90: {  	s2 =	sld [smem:$0x3FD0];
	_ =	sdelay $0x2  }
0x91: {  	s15 =	simm.s32 $0xA;
	s4 =	simm.s32 $0x10  }
0x92: {  	[smem:s4], [sflag:s15] =	dma.local [hbm:s2], $0x1  }
0x93: {  	_ =	swait.eq [sflag:s15], $0x1  }
0x94: {  	[sflag:s15] =	ssyncset.done $0x0  }
0x95: {  	[sflag:s15] =	ssyncadd.s32 $0xFFFFFFFF  }
0x96: {  	s16 =	sld [smem:$0x10];
	(tm) =	ssettm $0x1  }
0x97: {  	s17 =	sld [smem:$0x3FFB];
	_ =	sdelay $0x3  }
0x98: {  	_ =	strace s17  }
0x99: {  	s3 =	sld [smem:$0x3FFC];
	_ =	sdelay $0x3  }
0x9a: {  	_ =	strace s3  }
0x9b: {  	s3 =	sld [smem:$0x3FFD];
	_ =	sdelay $0x3  }
0x9c: {  	_ =	strace s3  }
0x9d: {  	_ =	strace $0x8FFFFFFF  }
0x9e: {  	s18 =	sld [smem:$0x3FDB];
	_ =	sdelay $0x1  }
0x9f: {  	s19 =	simm.s32 $_scs_section_size  }
0xa0: {  	s5 =	simm.s32 $_size__tile_overlayer_lowered;
	s6 =	simm.s32 $_tile_overlayer_lowered  }
0xa1: {  	s22 =	simm.s32 $0x1BFF;
	s21 =	sshll.u32 s6, $0x1;
	s3 =	sadd.s32 s19, s18  }
0xa2: {  	s7 =	simm.s32 $0x0;
	s20 =	sshll.u32 s5, $0x1;
	s5 =	sadd.s32 s21, s3  }
0xa3: {  	[timem:s7], [sflag:s22] =	dma.local [hbm:s5], s20  }
0xa4: {  	_ =	swait.ge [sflag:s22], s20  }
0xa5: {  	s4 =	ssub.s32 $0x0, s20;
	[sflag:s22] =	ssyncset.done $0x0  }
0xa6: {  	[sflag:s22] =	ssyncadd.s32 s4;
	_ =	sdelay $0x1  }
0xa7: {  	s23 =	simm.s32 $0x1B8B  }
0xa8: {  	_ =	swait.ge [sflag:s23], $0x1  }
0xa9: {  	[sflag:s23] =	ssyncset.done $0x0  }
0xaa: {  	s25 =	simm.s32 $0x1B8E;
	s24 =	sld [smem:$0x3FFE];
	[sflag:s23] =	ssyncadd.s32 $0xFFFFFFFF  }
0xab: {  	s26 =	simm.s32 $execute0_lowered;
	[smem:$0x3FD2] =	sst s25  }
0xac: {  	s5 =	sshll.u32 s26, $0x1;
	_ =	strace $0x80000046;
	[dreg:$0x1] =	wrdreg $0xFFFFFFFF  }
0xad: {  	s28 =	simm.s32 $_size_execute0_lowered;
	s3 =	sadd.s32 s3, s5;
	[dreg:$0x0] =	wrdreg $0x0  }
0xae: {  	s5 =	sshll.u32 s28, $0x1;
	[dreg:$0x2] =	wrdreg s3  }
0xaf: {  	[dreg:$0x3] =	wrdreg s5  }
0xb0: {  	[dreg:$0x4] =	wrdreg $0xC0  }
0xb1: {  	_ =	task [dreg:s7], $0x5FFFF  }
0xb2: {  	[dreg:$0x1] =	wrdreg $0xFFFFFFFF  }
0xb3: {  	[dreg:$0x0] =	wrdreg $0x60  }
0xb4: {  	[dreg:$0x2] =	wrdreg s24  }
0xb5: {  	[dreg:$0x3] =	wrdreg s16  }
0xb6: {  	[dreg:$0x4] =	wrdreg $0x9  }
0xb7: {  	_ =	task.clear_ibuf [dreg:s7], $0x5FFFF;
	_ =	strace $0x90000046  }
0xb8: {  	s29 =	simm.s32 $0x9;
	_ =	strace $0x80000048  }
0xb9: {  	_ =	swait.ge [sflag:s29], $0x1  }
0xba: {  	[sflag:s29] =	ssyncadd.s32 $0xFFFFFFFF  }
0xbb: {  	_ =	strace $0x90000048  }
0xbc: {  	_ =	sfence  }
0xbd: {  	s30 =	sld [smem:$0x0];
	_ =	sdelay $0x2  }
0xbe: {  	s31 =	sshll.u32 s1, $0xD;
	s1 =	sshrl.u32 s1, $0x2  }
0xbf: {  	s3 =	sand.u32 $0x4000, s31;
	s1 =	sadd.s32 s1, s30  }
0xc0: {  	s0 =	sor.u32 s3, s0;
	s1 =	sshll.u32 s1, $0x11  }
0xc1: {  	s0 =	sor.u32 s1, s0  }
0xc2: {  	s0 =	sadd.s32 $0x8F2B, s0  }
0xc3: {  	[sflag:s0] =	ssyncadd.remote.s32 $0x1  }
0xc4: {  	_ =	sfence.sel $0xFFFF  }
0xc5: {  	[dreg:$0x0] =	wrdreg $0xFFFFFFFF;
	(pc) =	sbr.abs _section_cstart, $3  }
0xc6: {  	[dreg:$0x1] =	wrdreg $0xFFFFFFFF  }
0xc7: {  	_ =	task.clear_ibuf [dreg:s7], $0x2FFFF;
	_ =	strace $0x9FFFFFFF  }
0xc8: {  	(tm) =	ssettm $0x7FFFFFFF  }
0xc9: {  	_ =	shalt  }
tec
execute0_lowered:
.L_overlay_start_1:
0x0: {  	(tag) =	ssettag $0x1  }
0x1: {  	s1 =	srdreg.scid  }
0x2: {  	s8 =	rddreg [dreg:$0x0];
	s0 =	stileid.u32;
	s9 =	sand.u32 $0x1, s1  }
0x3: {  	s2 =	rddreg [dreg:$0x1];
	s4 =	sshll.u32 s0, $0x7;
	s5 =	sshll.u32 s9, $0x6  }
0x4: {  	s3 =	simm.s32 $0x0;
	s1 =	rddreg [dreg:$0x2];
	s4 =	sor.u32 s5, s4  }
0x5: {  	[smem:$0x7FF] =	sst s3;
	s6 =	sadd.s32 s4, s8  }
0x6: {  	_ =	strace $0x80000047;
	s4 =	simm.s32 $0x2;
	s5 =	sadd.s32 $0x81A00, s6  }
0x7: {  	[tilespmem:s3], [sflag:$0x2] =	stream.linear.gather [hbm4b:s5+s3], $0x200, $0x38;
	[tilespmem:$0x4400] =	vst v63  }
0x8: {  	_ =	swait.ge [sflag:s4], $0x200  }
0x9: {  	s7 =	simm.s32 $0x200;
	[sflag:s4] =	ssyncset.done $0x0  }
0xa: {  	s11 =	ssub.s32 $0x2, s9;
	s6 =	sadd.s32 $0x82200, s6;
	[sflag:s4] =	ssyncadd.s32 $0xFFFFFE00  }
0xb: {  	[tilespmem:s7], [sflag:$0x2] =	stream.linear.gather [hbm4b:s6+s3], $0x200, $0x38;
	[tilespmem:$0x4400] =	vst v63  }
0xc: {  	s10 =	simm.s32 $0x1;
	s12 =	sshrl.u32 s11, $0x1;
	_ =	swait.ge [sflag:s4], $0x200  }
0xd: {  	s9 =	simm.s32 $0x400;
	s11 =	ssub.s32 s11, s12;
	[sflag:s4] =	ssyncset.done $0x0  }
0xe: {  	s8 =	sadd.s32 $0x1A00, s8;
	s11 =	smax.u32 s11, $0x1;
	[sflag:s4] =	ssyncadd.s32 $0xFFFFFE00  }
0xf: {  	[tilespmem:s9], [sflag:$0x1] =	stream.indirect.gather [hbm4b:s8+s7], $0x20, s3, s7, $0xb8;
	[tilespmem:$0x4400] =	vst v63  }
0x10: {  	p0 =	sne.s32 s11, $0x1;
	_ =	swait.ge [sflag:s10], $0x4000  }
.Ltmp0:
0x11: {  	[sflag:s10] =	ssyncset.done $0x0;
	(pc) =	sbr.rel @!p0 .LBB2_2-.Ltmp0, $4  }
0x12: {  	[sflag:s10] =	ssyncadd.s32 $0xFFFFC000  }
0x13: {  	[hbm4b:s2+s7] =	stream.indirect.scatter [tilespmem:s9], [sflag:$0x2], $0x20, s7, s7, $0xb8;
	[tilespmem:$0x4400] =	vst v63  }
0x14: {  	_ =	swait.ge [sflag:s4], $0x4000  }
0x15: {  	s11 =	sadd.s32 $0xFFFFFFFF, s11;
	[sflag:s4] =	ssyncset.done $0x0  }
.LBB2_1:
0x16: {  	p0 =	sne.s32 s11, $0x1;
	s11 =	sadd.s32 $0xFFFFFFFF, s11;
	[sflag:s4] =	ssyncadd.s32 $0xFFFFC000  }
0x17: {  	[tilespmem:s3], [sflag:$0x2] =	stream.linear.gather [hbm4b:s5+s3], $0x200, $0x38;
	[tilespmem:$0x4400] =	vst v63  }
0x18: {  	_ =	swait.ge [sflag:s4], $0x200  }
0x19: {  	[sflag:s4] =	ssyncset.done $0x0  }
0x1a: {  	[sflag:s4] =	ssyncadd.s32 $0xFFFFFE00  }
0x1b: {  	[tilespmem:s7], [sflag:$0x2] =	stream.linear.gather [hbm4b:s6+s3], $0x200, $0x38;
	[tilespmem:$0x4400] =	vst v63  }
0x1c: {  	_ =	swait.ge [sflag:s4], $0x200  }
0x1d: {  	[sflag:s4] =	ssyncset.done $0x0  }
0x1e: {  	[sflag:s4] =	ssyncadd.s32 $0xFFFFFE00  }
0x1f: {  	[tilespmem:s9], [sflag:$0x1] =	stream.indirect.gather [hbm4b:s8+s7], $0x20, s3, s7, $0xb8;
	[tilespmem:$0x4400] =	vst v63  }
0x20: {  	_ =	swait.ge [sflag:s10], $0x4000  }
.Ltmp1:
0x21: {  	[sflag:s10] =	ssyncset.done $0x0;
	(pc) =	sbr.rel @p0 .LBB2_1-.Ltmp1, $4  }
0x22: {  	[sflag:s10] =	ssyncadd.s32 $0xFFFFC000  }
0x23: {  	[hbm4b:s2+s7] =	stream.indirect.scatter [tilespmem:s9], [sflag:$0x2], $0x20, s7, s7, $0xb8;
	[tilespmem:$0x4400] =	vst v63  }
0x24: {  	_ =	swait.ge [sflag:s4], $0x4000  }
0x25: {  	[sflag:s4] =	ssyncset.done $0x0  }
.LBB2_2:
0x26: {  	[sflag:s4] =	ssyncadd.s32 $0xFFFFC000  }
0x27: {  	_ =	sfence.sel $0x180000  }
0x28: {  	[bflag:$0x0] =	sbarrier.arrive $0xFFFF  }
0x29: {  	p0 =	sne.s32 s0, $0x0;
	_ =	strace $0x90000047  }
0x2a: {  	s0 =	sadd.s32 @!p0 $0x100000, s1;
	[bflag:$0x2] =	sbarrier.arrive $0xFFFF  }
0x2b: {  	[sflag:s0] =	ssyncadd.tile.s32 @!p0 $0x1;
	_ =	shalt  }
.Lfunc_end2:
_tile_overlayer_lowered:
.L_overlay_start_2:
0x2c: {  	(tag) =	ssettag $0x2  }
0x2d: {  	s0 =	rddreg [dreg:$0x0];
	s2 =	stileid.u32  }
0x2e: {  	s1 =	rddreg [dreg:$0x1];
	p0 =	sne.s32 s2, $0x0  }
0x2f: {  	s3 =	rddreg [dreg:$0x2];
	[bflag:$0x3] =	sbarrier.arrive $0xFFFF;
	s2 =	simm.s32 @!p0 $0x1C02  }
0x30: {  	[timem:s3], [sflag:s2] =	dma.local @!p0 [hbm:s0], s1  }
0x31: {  	s0 =	simm.s32 @!p0 $0x2  }
0x32: {  	_ =	swait.ge @!p0 [sflag:s0], s1  }
0x33: {  	s1 =	ssub.s32 @!p0 $0x0, s1;
	[sflag:s0] =	ssyncset.done @!p0 $0x0  }
0x34: {  	[sflag:s0] =	ssyncadd.s32 @!p0 s1  }
0x35: {  	[bflag:$0x3] =	sbarrier.arrive $0xFFFF  }
0x36: {  	_ =	shalt  }

</sc_bundles>
